<compile_context>
chip_gen: v7x
topology: tpu7x:2x2x1
jax: 0.10.2.dev20260603
libtpu: 0.0.44.dev20260713+nightly
codegen_flags: <defaults>
</compile_context>

<pallas_src>
import functools
import math

import jax
import jax.numpy as jnp
from jax import lax
from jax.experimental import pallas as pl
from jax.experimental.pallas import tpu as pltpu
from jax.experimental.pallas import tpu_sc as plsc

_NLBL = 1000
_WPAD = 1024
_BLUR = 3
_DECAYS = tuple(math.exp(-float(d * d) / 2.0) for d in range(_BLUR + 1))

_B, _L = 4, 4096
_NC, _NS = 1, 16
_NW = _NC * _NS
_LPW = (_B * _L) // _NW
_WPB = _L // _LPW


def _make_w_kernel():
    mesh = plsc.VectorSubcoreMesh(core_axis_name="c", subcore_axis_name="s",
                                  num_cores=_NC, num_subcores=_NS)

    @functools.partial(
        pl.kernel,
        out_type=jax.ShapeDtypeStruct((_B, _WPAD), jnp.float32),
        mesh=mesh,
        scratch_types=[
            pltpu.VMEM((_L,), jnp.int32),
            pltpu.VMEM((_WPAD,), jnp.float32),
        ],
        compiler_params=pltpu.CompilerParams(needs_layout_passes=False),
    )
    def w_kernel(label_hbm, out_hbm, labels_v, wmap_v):
        c = lax.axis_index("c")
        s = lax.axis_index("s")

        @pl.when(s < _B // _NC)
        def _work():
            b = c * (_B // _NC) + s
            base = pl.multiple_of(b * _L, 8)
            pltpu.sync_copy(label_hbm.at[pl.ds(base, _L)], labels_v)

            def zero_body(i, carry):
                wmap_v[pl.ds(i * 16, 16)] = jnp.zeros((16,), jnp.float32)
                return carry

            lax.fori_loop(0, _WPAD // 16, zero_body, 0, unroll=8)

            for dist in range(_BLUR, -1, -1):
                for direction in (1, -1):
                    off = direction * dist
                    val = jnp.full((16,), _DECAYS[dist], jnp.float32)

                    def body(j, carry, off=off, val=val):
                        lbl = labels_v[pl.ds(j * 16, 16)]
                        idx = jnp.clip(lbl + off, 0, _NLBL - 1)
                        plsc.store_scatter(wmap_v, [idx], val)
                        return carry

                    lax.fori_loop(0, _L // 16, body, 0, unroll=8)
                    if dist == 0:
                        break

            pltpu.sync_copy(wmap_v, out_hbm.at[b])

    return w_kernel


_TC = 1024


def _loss_body(scale, pred_ref, w_ref, out_ref):
    step = pl.program_id(0) * pl.num_programs(1) + pl.program_id(1)
    x = pred_ref[0]
    m = jnp.max(x, axis=-1)
    s = jnp.sum(jnp.exp(x - m[:, None]), axis=-1)
    lse = m + jnp.log(s)
    logit0 = x[:, 0] - lse
    part = jnp.sum(w_ref[0, 0, :] * logit0)

    @pl.when(step == 0)
    def _init():
        out_ref[0, 0] = 0.0

    out_ref[0, 0] += part

    @pl.when(step == pl.num_programs(0) * pl.num_programs(1) - 1)
    def _fin():
        out_ref[0, 0] = out_ref[0, 0] * scale


def kernel(pred, label):
    B, L, C = pred.shape
    w = _make_w_kernel()(label.reshape(-1))
    scale = -1.0 / float(B * L)
    out = pl.pallas_call(
        functools.partial(_loss_body, scale),
        grid=(B, _WPAD // _TC),
        in_specs=[
            pl.BlockSpec((1, _TC, C), lambda b, j: (b, j, 0)),
            pl.BlockSpec((1, 1, _TC), lambda b, j: (b, 0, j)),
        ],
        out_specs=pl.BlockSpec(memory_space=pltpu.SMEM),
        out_shape=jax.ShapeDtypeStruct((1, 1), jnp.float32),
    )(pred, w.reshape(B, 1, _WPAD))
    return out[0, 0]

# --- scband reference (transcript-rebuilt; emitter-appended) ---
"""Pipeline reference for scband-celoss-with-gsl-32349693673732 (READ-ONLY COPY).

The authoritative reference and input builder live on the scoring server;
editing this copy changes nothing except your own understanding.
"""

import jax, jax.numpy as jnp
import numpy as np
import math

NUM_LABEL = 1000
BLUR_RANGE = 3
GAUSSIAN_DECAYS = [math.exp(-float(d * d) / 2.0) for d in range(BLUR_RANGE + 1)]


def setup_inputs(seed: int = 0) -> dict:
    key = jax.random.key(seed)
    k1, k2 = jax.random.split(key)
    pred = jax.random.normal(k1, (4, 4096, NUM_LABEL), dtype=jnp.float32)
    label = jax.random.randint(k2, (4, 4096), 0, NUM_LABEL, dtype=jnp.int32)
    return {"pred": pred, "label": label}


def smoothed_label(label, num_label):
    # Faithful replication of the torch code: scatter_(dim=1, index=label[...,None], value=v)
    # on a zero tensor of shape [B, L, num_label]. With dim=1 and index shape [B, L, 1],
    # torch writes onehot[b, blur_idx[b, l], 0] = value (only channel 0 of the last dim).
    # Loop order (dist = blur_range..0, directions +1 then -1) determines overwrites.
    B, L = label.shape
    onehot = jnp.zeros((B, L, num_label), dtype=jnp.float32)
    b_idx = jnp.arange(B)[:, None]
    for dist in range(BLUR_RANGE, -1, -1):
        for direction in (1, -1):
            blur_idx = jnp.clip(label + direction * dist, 0, num_label - 1)
            onehot = onehot.at[b_idx, blur_idx, 0].set(GAUSSIAN_DECAYS[dist])
    return onehot


def reference(pred, label):
    pred_logit = jax.nn.log_softmax(pred, axis=-1)
    label_sm = smoothed_label(label, NUM_LABEL)
    target_loss_sum = -(pred_logit * label_sm).sum(axis=-1)
    return target_loss_sum.mean()

if __name__ == "__main__":
    import jax
    _d = setup_inputs()
    print(jax.jit(kernel)(*tuple(_d.values())))

</pallas_src>

<mosaic_0001>
#map = affine_map<(d0, d1) -> (0)>
#map1 = affine_map<(d0, d1) -> (0, 0)>
module attributes {stable_mosaic.version = 14 : i64} {
  func.func @w_kernel(%arg0: i32, %arg1: i32, %arg2: memref<16384xi32, #tpu.memory_space<hbm>>, %arg3: memref<4x1024xf32, #tpu.memory_space<hbm>>, %arg4: memref<4096xi32, #tpu.memory_space<vmem>>, %arg5: memref<1024xf32, #tpu.memory_space<vmem>>) attributes {dimension_semantics = [#tpu.dimension_semantics<core_parallel>, #tpu.dimension_semantics<subcore_parallel>], iteration_bounds = array<i64: 1, 16>, scalar_prefetch = 0 : i64, scratch_operands = 2 : i64, tpu.core_type = #tpu.core_type<sc_vector_subcore>, window_params = [{transform_indices = #map}, {transform_indices = #map1}]} {
    %lt3A = arith.constant 4 : i32
    %lt3A_0 = arith.cmpi slt, %arg1, %lt3A : i32
    %convert_element_type3A = arith.extui %lt3A_0 : i1 to i32
    %cond3A = arith.constant 0 : i32
    %cond3A_1 = arith.cmpi ne, %convert_element_type3A, %cond3A : i32
    scf.if %cond3A_1 {
      %mul3A = arith.constant 4 : i32
      %mul3A_2 = arith.muli %arg0, %mul3A : i32
      %add3A = arith.addi %mul3A_2, %arg1 : i32
      %mul3A_3 = arith.constant 4096 : i32
      %mul3A_4 = arith.muli %add3A, %mul3A_3 : i32
      %multiple_of3A = tpu.assume_multiple %mul3A_4, 8 : i32
      "tpu.region"() ({
        %run_scoped3A = tpu.sem_alloc : memref<!tpu.dma_semaphore, #tpu.memory_space<semaphore_mem>>
        %dma_start3A = tpu.memref_slice %arg2[%multiple_of3A] : memref<16384xi32, #tpu.memory_space<hbm>> -> memref<4096xi32, #tpu.memory_space<hbm>>
        %dma_start3A_65 = tpu.memref_slice %arg2[%multiple_of3A] : memref<16384xi32, #tpu.memory_space<hbm>> -> memref<4096xi32, #tpu.memory_space<hbm>>
        tpu.enqueue_dma source(%dma_start3A_65 : memref<4096xi32, #tpu.memory_space<hbm>>) target(%arg4 : memref<4096xi32, #tpu.memory_space<vmem>>) target_semaphore(%run_scoped3A : memref<!tpu.dma_semaphore, #tpu.memory_space<semaphore_mem>>)
        %dma_wait3A = tpu.memref_slice %arg2[%multiple_of3A] : memref<16384xi32, #tpu.memory_space<hbm>> -> memref<4096xi32, #tpu.memory_space<hbm>>
        %dma_wait3A_66 = tpu.memref_slice %arg2[%multiple_of3A] : memref<16384xi32, #tpu.memory_space<hbm>> -> memref<4096xi32, #tpu.memory_space<hbm>>
        tpu.wait_dma2 semaphore(%run_scoped3A : memref<!tpu.dma_semaphore, #tpu.memory_space<semaphore_mem>>) src(%dma_wait3A_66 : memref<4096xi32, #tpu.memory_space<hbm>>) dst(%arg4 : memref<4096xi32, #tpu.memory_space<vmem>>)
        tpu.yield
      }) : () -> ()
      %scan3A = arith.constant 0 : i32
      %scan3A_5 = arith.constant 0 : i32
      %scan3A_6 = arith.constant 64 : i32
      %scan3A_7 = arith.addi %scan3A_5, %scan3A_6 : i32
      %scan3A_8 = arith.constant 8 : i32
      scf.for %scan3A_65 = %scan3A_5 to %scan3A_7 step %scan3A_8  : i32 {
        %broadcast_in_dim3A_66 = arith.constant 0.000000e+00 : f32
        %broadcast_in_dim3A_67 = vector.broadcast %broadcast_in_dim3A_66 : f32 to vector<16xf32>
        %mul3A_68 = arith.constant 16 : i32
        %mul3A_69 = arith.muli %scan3A_65, %mul3A_68 : i32
        %swap3A = arith.index_cast %mul3A_69 : i32 to index
        %swap3A_70 = tpu.vector_load %arg5[%swap3A] {strides = array<i32>} : memref<1024xf32, #tpu.memory_space<vmem>>, vector<16xf32>,
        tpu.vector_store %arg5[%swap3A], %broadcast_in_dim3A_67 {strides = array<i32>} : memref<1024xf32, #tpu.memory_space<vmem>>, vector<16xf32>,
        %scan3A_71 = arith.constant 1 : i32
        %scan3A_72 = arith.addi %scan3A_65, %scan3A_71 : i32
        %broadcast_in_dim3A_73 = arith.constant 0.000000e+00 : f32
        %broadcast_in_dim3A_74 = vector.broadcast %broadcast_in_dim3A_73 : f32 to vector<16xf32>
        %mul3A_75 = arith.constant 16 : i32
        %mul3A_76 = arith.muli %scan3A_72, %mul3A_75 : i32
        %swap3A_77 = arith.index_cast %mul3A_76 : i32 to index
        %swap3A_78 = tpu.vector_load %arg5[%swap3A_77] {strides = array<i32>} : memref<1024xf32, #tpu.memory_space<vmem>>, vector<16xf32>,
        tpu.vector_store %arg5[%swap3A_77], %broadcast_in_dim3A_74 {strides = array<i32>} : memref<1024xf32, #tpu.memory_space<vmem>>, vector<16xf32>,
        %scan3A_79 = arith.constant 2 : i32
        %scan3A_80 = arith.addi %scan3A_65, %scan3A_79 : i32
        %broadcast_in_dim3A_81 = arith.constant 0.000000e+00 : f32
        %broadcast_in_dim3A_82 = vector.broadcast %broadcast_in_dim3A_81 : f32 to vector<16xf32>
        %mul3A_83 = arith.constant 16 : i32
        %mul3A_84 = arith.muli %scan3A_80, %mul3A_83 : i32
        %swap3A_85 = arith.index_cast %mul3A_84 : i32 to index
        %swap3A_86 = tpu.vector_load %arg5[%swap3A_85] {strides = array<i32>} : memref<1024xf32, #tpu.memory_space<vmem>>, vector<16xf32>,
        tpu.vector_store %arg5[%swap3A_85], %broadcast_in_dim3A_82 {strides = array<i32>} : memref<1024xf32, #tpu.memory_space<vmem>>, vector<16xf32>,
        %scan3A_87 = arith.constant 3 : i32
        %scan3A_88 = arith.addi %scan3A_65, %scan3A_87 : i32
        %broadcast_in_dim3A_89 = arith.constant 0.000000e+00 : f32
        %broadcast_in_dim3A_90 = vector.broadcast %broadcast_in_dim3A_89 : f32 to vector<16xf32>
        %mul3A_91 = arith.constant 16 : i32
        %mul3A_92 = arith.muli %scan3A_88, %mul3A_91 : i32
        %swap3A_93 = arith.index_cast %mul3A_92 : i32 to index
        %swap3A_94 = tpu.vector_load %arg5[%swap3A_93] {strides = array<i32>} : memref<1024xf32, #tpu.memory_space<vmem>>, vector<16xf32>,
        tpu.vector_store %arg5[%swap3A_93], %broadcast_in_dim3A_90 {strides = array<i32>} : memref<1024xf32, #tpu.memory_space<vmem>>, vector<16xf32>,
        %scan3A_95 = arith.constant 4 : i32
        %scan3A_96 = arith.addi %scan3A_65, %scan3A_95 : i32
        %broadcast_in_dim3A_97 = arith.constant 0.000000e+00 : f32
        %broadcast_in_dim3A_98 = vector.broadcast %broadcast_in_dim3A_97 : f32 to vector<16xf32>
        %mul3A_99 = arith.constant 16 : i32
        %mul3A_100 = arith.muli %scan3A_96, %mul3A_99 : i32
        %swap3A_101 = arith.index_cast %mul3A_100 : i32 to index
        %swap3A_102 = tpu.vector_load %arg5[%swap3A_101] {strides = array<i32>} : memref<1024xf32, #tpu.memory_space<vmem>>, vector<16xf32>,
        tpu.vector_store %arg5[%swap3A_101], %broadcast_in_dim3A_98 {strides = array<i32>} : memref<1024xf32, #tpu.memory_space<vmem>>, vector<16xf32>,
        %scan3A_103 = arith.constant 5 : i32
        %scan3A_104 = arith.addi %scan3A_65, %scan3A_103 : i32
        %broadcast_in_dim3A_105 = arith.constant 0.000000e+00 : f32
        %broadcast_in_dim3A_106 = vector.broadcast %broadcast_in_dim3A_105 : f32 to vector<16xf32>
        %mul3A_107 = arith.constant 16 : i32
        %mul3A_108 = arith.muli %scan3A_104, %mul3A_107 : i32
        %swap3A_109 = arith.index_cast %mul3A_108 : i32 to index
        %swap3A_110 = tpu.vector_load %arg5[%swap3A_109] {strides = array<i32>} : memref<1024xf32, #tpu.memory_space<vmem>>, vector<16xf32>,
        tpu.vector_store %arg5[%swap3A_109], %broadcast_in_dim3A_106 {strides = array<i32>} : memref<1024xf32, #tpu.memory_space<vmem>>, vector<16xf32>,
        %scan3A_111 = arith.constant 6 : i32
        %scan3A_112 = arith.addi %scan3A_65, %scan3A_111 : i32
        %broadcast_in_dim3A_113 = arith.constant 0.000000e+00 : f32
        %broadcast_in_dim3A_114 = vector.broadcast %broadcast_in_dim3A_113 : f32 to vector<16xf32>
        %mul3A_115 = arith.constant 16 : i32
        %mul3A_116 = arith.muli %scan3A_112, %mul3A_115 : i32
        %swap3A_117 = arith.index_cast %mul3A_116 : i32 to index
        %swap3A_118 = tpu.vector_load %arg5[%swap3A_117] {strides = array<i32>} : memref<1024xf32, #tpu.memory_space<vmem>>, vector<16xf32>,
        tpu.vector_store %arg5[%swap3A_117], %broadcast_in_dim3A_114 {strides = array<i32>} : memref<1024xf32, #tpu.memory_space<vmem>>, vector<16xf32>,
        %scan3A_119 = arith.constant 7 : i32
        %scan3A_120 = arith.addi %scan3A_65, %scan3A_119 : i32
        %broadcast_in_dim3A_121 = arith.constant 0.000000e+00 : f32
        %broadcast_in_dim3A_122 = vector.broadcast %broadcast_in_dim3A_121 : f32 to vector<16xf32>
        %mul3A_123 = arith.constant 16 : i32
        %mul3A_124 = arith.muli %scan3A_120, %mul3A_123 : i32
        %swap3A_125 = arith.index_cast %mul3A_124 : i32 to index
        %swap3A_126 = tpu.vector_load %arg5[%swap3A_125] {strides = array<i32>} : memref<1024xf32, #tpu.memory_space<vmem>>, vector<16xf32>,
        tpu.vector_store %arg5[%swap3A_125], %broadcast_in_dim3A_122 {strides = array<i32>} : memref<1024xf32, #tpu.memory_space<vmem>>, vector<16xf32>,
      }
      %scan3A_9 = arith.constant 64 : i32
      %broadcast_in_dim3A = arith.constant 0.0111089963 : f32
      %broadcast_in_dim3A_10 = vector.broadcast %broadcast_in_dim3A : f32 to vector<16xf32>
      %scan3A_11 = arith.constant 0 : i32
      %scan3A_12 = arith.constant 0 : i32
      %scan3A_13 = arith.constant 256 : i32
      %scan3A_14 = arith.addi %scan3A_12, %scan3A_13 : i32
      %scan3A_15 = arith.constant 8 : i32
      scf.for %scan3A_65 = %scan3A_12 to %scan3A_14 step %scan3A_15  : i32 {
        %mul3A_66 = arith.constant 16 : i32
        %mul3A_67 = arith.muli %scan3A_65, %mul3A_66 : i32
        %get3A = arith.index_cast %mul3A_67 : i32 to index
        %get3A_68 = tpu.vector_load %arg4[%get3A] {strides = array<i32>} : memref<4096xi32, #tpu.memory_space<vmem>>, vector<16xi32>,
        %add3A_69 = arith.constant 3 : i32
        %add3A_70 = vector.broadcast %add3A_69 : i32 to vector<16xi32>
        %add3A_71 = arith.addi %get3A_68, %add3A_70 : vector<16xi32>
        %jit3A = arith.constant 0 : i32
        %jit3A_72 = arith.constant 999 : i32
        %max3A = vector.broadcast %jit3A : i32 to vector<16xi32>
        %max3A_73 = arith.maxsi %max3A, %add3A_71 : vector<16xi32>
        %min3A = vector.broadcast %jit3A_72 : i32 to vector<16xi32>
        %min3A_74 = arith.minsi %min3A, %max3A_73 : vector<16xi32>
        tpu.vector_store_idx %arg5[%min3A_74], %broadcast_in_dim3A_10 : memref<1024xf32, #tpu.memory_space<vmem>>[vector<16xi32>], vector<16xf32>,
        %scan3A_75 = arith.constant 1 : i32
        %scan3A_76 = arith.addi %scan3A_65, %scan3A_75 : i32
        %mul3A_77 = arith.constant 16 : i32
        %mul3A_78 = arith.muli %scan3A_76, %mul3A_77 : i32
        %get3A_79 = arith.index_cast %mul3A_78 : i32 to index
        %get3A_80 = tpu.vector_load %arg4[%get3A_79] {strides = array<i32>} : memref<4096xi32, #tpu.memory_space<vmem>>, vector<16xi32>,
        %add3A_81 = arith.constant 3 : i32
        %add3A_82 = vector.broadcast %add3A_81 : i32 to vector<16xi32>
        %add3A_83 = arith.addi %get3A_80, %add3A_82 : vector<16xi32>
        %jit3A_84 = arith.constant 0 : i32
        %jit3A_85 = arith.constant 999 : i32
        %max3A_86 = vector.broadcast %jit3A_84 : i32 to vector<16xi32>
        %max3A_87 = arith.maxsi %max3A_86, %add3A_83 : vector<16xi32>
        %min3A_88 = vector.broadcast %jit3A_85 : i32 to vector<16xi32>
        %min3A_89 = arith.minsi %min3A_88, %max3A_87 : vector<16xi32>
        tpu.vector_store_idx %arg5[%min3A_89], %broadcast_in_dim3A_10 : memref<1024xf32, #tpu.memory_space<vmem>>[vector<16xi32>], vector<16xf32>,
        %scan3A_90 = arith.constant 2 : i32
        %scan3A_91 = arith.addi %scan3A_65, %scan3A_90 : i32
        %mul3A_92 = arith.constant 16 : i32
        %mul3A_93 = arith.muli %scan3A_91, %mul3A_92 : i32
        %get3A_94 = arith.index_cast %mul3A_93 : i32 to index
        %get3A_95 = tpu.vector_load %arg4[%get3A_94] {strides = array<i32>} : memref<4096xi32, #tpu.memory_space<vmem>>, vector<16xi32>,
        %add3A_96 = arith.constant 3 : i32
        %add3A_97 = vector.broadcast %add3A_96 : i32 to vector<16xi32>
        %add3A_98 = arith.addi %get3A_95, %add3A_97 : vector<16xi32>
        %jit3A_99 = arith.constant 0 : i32
        %jit3A_100 = arith.constant 999 : i32
        %max3A_101 = vector.broadcast %jit3A_99 : i32 to vector<16xi32>
        %max3A_102 = arith.maxsi %max3A_101, %add3A_98 : vector<16xi32>
        %min3A_103 = vector.broadcast %jit3A_100 : i32 to vector<16xi32>
        %min3A_104 = arith.minsi %min3A_103, %max3A_102 : vector<16xi32>
        tpu.vector_store_idx %arg5[%min3A_104], %broadcast_in_dim3A_10 : memref<1024xf32, #tpu.memory_space<vmem>>[vector<16xi32>], vector<16xf32>,
        %scan3A_105 = arith.constant 3 : i32
        %scan3A_106 = arith.addi %scan3A_65, %scan3A_105 : i32
        %mul3A_107 = arith.constant 16 : i32
        %mul3A_108 = arith.muli %scan3A_106, %mul3A_107 : i32
        %get3A_109 = arith.index_cast %mul3A_108 : i32 to index
        %get3A_110 = tpu.vector_load %arg4[%get3A_109] {strides = array<i32>} : memref<4096xi32, #tpu.memory_space<vmem>>, vector<16xi32>,
        %add3A_111 = arith.constant 3 : i32
        %add3A_112 = vector.broadcast %add3A_111 : i32 to vector<16xi32>
        %add3A_113 = arith.addi %get3A_110, %add3A_112 : vector<16xi32>
        %jit3A_114 = arith.constant 0 : i32
        %jit3A_115 = arith.constant 999 : i32
        %max3A_116 = vector.broadcast %jit3A_114 : i32 to vector<16xi32>
        %max3A_117 = arith.maxsi %max3A_116, %add3A_113 : vector<16xi32>
        %min3A_118 = vector.broadcast %jit3A_115 : i32 to vector<16xi32>
        %min3A_119 = arith.minsi %min3A_118, %max3A_117 : vector<16xi32>
        tpu.vector_store_idx %arg5[%min3A_119], %broadcast_in_dim3A_10 : memref<1024xf32, #tpu.memory_space<vmem>>[vector<16xi32>], vector<16xf32>,
        %scan3A_120 = arith.constant 4 : i32
        %scan3A_121 = arith.addi %scan3A_65, %scan3A_120 : i32
        %mul3A_122 = arith.constant 16 : i32
        %mul3A_123 = arith.muli %scan3A_121, %mul3A_122 : i32
        %get3A_124 = arith.index_cast %mul3A_123 : i32 to index
        %get3A_125 = tpu.vector_load %arg4[%get3A_124] {strides = array<i32>} : memref<4096xi32, #tpu.memory_space<vmem>>, vector<16xi32>,
        %add3A_126 = arith.constant 3 : i32
        %add3A_127 = vector.broadcast %add3A_126 : i32 to vector<16xi32>
        %add3A_128 = arith.addi %get3A_125, %add3A_127 : vector<16xi32>
        %jit3A_129 = arith.constant 0 : i32
        %jit3A_130 = arith.constant 999 : i32
        %max3A_131 = vector.broadcast %jit3A_129 : i32 to vector<16xi32>
        %max3A_132 = arith.maxsi %max3A_131, %add3A_128 : vector<16xi32>
        %min3A_133 = vector.broadcast %jit3A_130 : i32 to vector<16xi32>
        %min3A_134 = arith.minsi %min3A_133, %max3A_132 : vector<16xi32>
        tpu.vector_store_idx %arg5[%min3A_134], %broadcast_in_dim3A_10 : memref<1024xf32, #tpu.memory_space<vmem>>[vector<16xi32>], vector<16xf32>,
        %scan3A_135 = arith.constant 5 : i32
        %scan3A_136 = arith.addi %scan3A_65, %scan3A_135 : i32
        %mul3A_137 = arith.constant 16 : i32
        %mul3A_138 = arith.muli %scan3A_136, %mul3A_137 : i32
        %get3A_139 = arith.index_cast %mul3A_138 : i32 to index
        %get3A_140 = tpu.vector_load %arg4[%get3A_139] {strides = array<i32>} : memref<4096xi32, #tpu.memory_space<vmem>>, vector<16xi32>,
        %add3A_141 = arith.constant 3 : i32
        %add3A_142 = vector.broadcast %add3A_141 : i32 to vector<16xi32>
        %add3A_143 = arith.addi %get3A_140, %add3A_142 : vector<16xi32>
        %jit3A_144 = arith.constant 0 : i32
        %jit3A_145 = arith.constant 999 : i32
        %max3A_146 = vector.broadcast %jit3A_144 : i32 to vector<16xi32>
        %max3A_147 = arith.maxsi %max3A_146, %add3A_143 : vector<16xi32>
        %min3A_148 = vector.broadcast %jit3A_145 : i32 to vector<16xi32>
        %min3A_149 = arith.minsi %min3A_148, %max3A_147 : vector<16xi32>
        tpu.vector_store_idx %arg5[%min3A_149], %broadcast_in_dim3A_10 : memref<1024xf32, #tpu.memory_space<vmem>>[vector<16xi32>], vector<16xf32>,
        %scan3A_150 = arith.constant 6 : i32
        %scan3A_151 = arith.addi %scan3A_65, %scan3A_150 : i32
        %mul3A_152 = arith.constant 16 : i32
        %mul3A_153 = arith.muli %scan3A_151, %mul3A_152 : i32
        %get3A_154 = arith.index_cast %mul3A_153 : i32 to index
        %get3A_155 = tpu.vector_load %arg4[%get3A_154] {strides = array<i32>} : memref<4096xi32, #tpu.memory_space<vmem>>, vector<16xi32>,
        %add3A_156 = arith.constant 3 : i32
        %add3A_157 = vector.broadcast %add3A_156 : i32 to vector<16xi32>
        %add3A_158 = arith.addi %get3A_155, %add3A_157 : vector<16xi32>
        %jit3A_159 = arith.constant 0 : i32
        %jit3A_160 = arith.constant 999 : i32
        %max3A_161 = vector.broadcast %jit3A_159 : i32 to vector<16xi32>
        %max3A_162 = arith.maxsi %max3A_161, %add3A_158 : vector<16xi32>
        %min3A_163 = vector.broadcast %jit3A_160 : i32 to vector<16xi32>
        %min3A_164 = arith.minsi %min3A_163, %max3A_162 : vector<16xi32>
        tpu.vector_store_idx %arg5[%min3A_164], %broadcast_in_dim3A_10 : memref<1024xf32, #tpu.memory_space<vmem>>[vector<16xi32>], vector<16xf32>,
        %scan3A_165 = arith.constant 7 : i32
        %scan3A_166 = arith.addi %scan3A_65, %scan3A_165 : i32
        %mul3A_167 = arith.constant 16 : i32
        %mul3A_168 = arith.muli %scan3A_166, %mul3A_167 : i32
        %get3A_169 = arith.index_cast %mul3A_168 : i32 to index
        %get3A_170 = tpu.vector_load %arg4[%get3A_169] {strides = array<i32>} : memref<4096xi32, #tpu.memory_space<vmem>>, vector<16xi32>,
        %add3A_171 = arith.constant 3 : i32
        %add3A_172 = vector.broadcast %add3A_171 : i32 to vector<16xi32>
        %add3A_173 = arith.addi %get3A_170, %add3A_172 : vector<16xi32>
        %jit3A_174 = arith.constant 0 : i32
        %jit3A_175 = arith.constant 999 : i32
        %max3A_176 = vector.broadcast %jit3A_174 : i32 to vector<16xi32>
        %max3A_177 = arith.maxsi %max3A_176, %add3A_173 : vector<16xi32>
        %min3A_178 = vector.broadcast %jit3A_175 : i32 to vector<16xi32>
        %min3A_179 = arith.minsi %min3A_178, %max3A_177 : vector<16xi32>
        tpu.vector_store_idx %arg5[%min3A_179], %broadcast_in_dim3A_10 : memref<1024xf32, #tpu.memory_space<vmem>>[vector<16xi32>], vector<16xf32>,
      }
      %scan3A_16 = arith.constant 256 : i32
      %broadcast_in_dim3A_17 = arith.constant 0.0111089963 : f32
      %broadcast_in_dim3A_18 = vector.broadcast %broadcast_in_dim3A_17 : f32 to vector<16xf32>
      %scan3A_19 = arith.constant 0 : i32
      %scan3A_20 = arith.constant 0 : i32
      %scan3A_21 = arith.constant 256 : i32
      %scan3A_22 = arith.addi %scan3A_20, %scan3A_21 : i32
      %scan3A_23 = arith.constant 8 : i32
      scf.for %scan3A_65 = %scan3A_20 to %scan3A_22 step %scan3A_23  : i32 {
        %mul3A_66 = arith.constant 16 : i32
        %mul3A_67 = arith.muli %scan3A_65, %mul3A_66 : i32
        %get3A = arith.index_cast %mul3A_67 : i32 to index
        %get3A_68 = tpu.vector_load %arg4[%get3A] {strides = array<i32>} : memref<4096xi32, #tpu.memory_space<vmem>>, vector<16xi32>,
        %add3A_69 = arith.constant -3 : i32
        %add3A_70 = vector.broadcast %add3A_69 : i32 to vector<16xi32>
        %add3A_71 = arith.addi %get3A_68, %add3A_70 : vector<16xi32>
        %jit3A = arith.constant 0 : i32
        %jit3A_72 = arith.constant 999 : i32
        %max3A = vector.broadcast %jit3A : i32 to vector<16xi32>
        %max3A_73 = arith.maxsi %max3A, %add3A_71 : vector<16xi32>
        %min3A = vector.broadcast %jit3A_72 : i32 to vector<16xi32>
        %min3A_74 = arith.minsi %min3A, %max3A_73 : vector<16xi32>
        tpu.vector_store_idx %arg5[%min3A_74], %broadcast_in_dim3A_18 : memref<1024xf32, #tpu.memory_space<vmem>>[vector<16xi32>], vector<16xf32>,
        %scan3A_75 = arith.constant 1 : i32
        %scan3A_76 = arith.addi %scan3A_65, %scan3A_75 : i32
        %mul3A_77 = arith.constant 16 : i32
        %mul3A_78 = arith.muli %scan3A_76, %mul3A_77 : i32
        %get3A_79 = arith.index_cast %mul3A_78 : i32 to index
        %get3A_80 = tpu.vector_load %arg4[%get3A_79] {strides = array<i32>} : memref<4096xi32, #tpu.memory_space<vmem>>, vector<16xi32>,
        %add3A_81 = arith.constant -3 : i32
        %add3A_82 = vector.broadcast %add3A_81 : i32 to vector<16xi32>
        %add3A_83 = arith.addi %get3A_80, %add3A_82 : vector<16xi32>
        %jit3A_84 = arith.constant 0 : i32
        %jit3A_85 = arith.constant 999 : i32
        %max3A_86 = vector.broadcast %jit3A_84 : i32 to vector<16xi32>
        %max3A_87 = arith.maxsi %max3A_86, %add3A_83 : vector<16xi32>
        %min3A_88 = vector.broadcast %jit3A_85 : i32 to vector<16xi32>
        %min3A_89 = arith.minsi %min3A_88, %max3A_87 : vector<16xi32>
        tpu.vector_store_idx %arg5[%min3A_89], %broadcast_in_dim3A_18 : memref<1024xf32, #tpu.memory_space<vmem>>[vector<16xi32>], vector<16xf32>,
        %scan3A_90 = arith.constant 2 : i32
        %scan3A_91 = arith.addi %scan3A_65, %scan3A_90 : i32
        %mul3A_92 = arith.constant 16 : i32
        %mul3A_93 = arith.muli %scan3A_91, %mul3A_92 : i32
        %get3A_94 = arith.index_cast %mul3A_93 : i32 to index
        %get3A_95 = tpu.vector_load %arg4[%get3A_94] {strides = array<i32>} : memref<4096xi32, #tpu.memory_space<vmem>>, vector<16xi32>,
        %add3A_96 = arith.constant -3 : i32
        %add3A_97 = vector.broadcast %add3A_96 : i32 to vector<16xi32>
        %add3A_98 = arith.addi %get3A_95, %add3A_97 : vector<16xi32>
        %jit3A_99 = arith.constant 0 : i32
        %jit3A_100 = arith.constant 999 : i32
        %max3A_101 = vector.broadcast %jit3A_99 : i32 to vector<16xi32>
        %max3A_102 = arith.maxsi %max3A_101, %add3A_98 : vector<16xi32>
        %min3A_103 = vector.broadcast %jit3A_100 : i32 to vector<16xi32>
        %min3A_104 = arith.minsi %min3A_103, %max3A_102 : vector<16xi32>
        tpu.vector_store_idx %arg5[%min3A_104], %broadcast_in_dim3A_18 : memref<1024xf32, #tpu.memory_space<vmem>>[vector<16xi32>], vector<16xf32>,
        %scan3A_105 = arith.constant 3 : i32
        %scan3A_106 = arith.addi %scan3A_65, %scan3A_105 : i32
        %mul3A_107 = arith.constant 16 : i32
        %mul3A_108 = arith.muli %scan3A_106, %mul3A_107 : i32
        %get3A_109 = arith.index_cast %mul3A_108 : i32 to index
        %get3A_110 = tpu.vector_load %arg4[%get3A_109] {strides = array<i32>} : memref<4096xi32, #tpu.memory_space<vmem>>, vector<16xi32>,
        %add3A_111 = arith.constant -3 : i32
        %add3A_112 = vector.broadcast %add3A_111 : i32 to vector<16xi32>
        %add3A_113 = arith.addi %get3A_110, %add3A_112 : vector<16xi32>
        %jit3A_114 = arith.constant 0 : i32
        %jit3A_115 = arith.constant 999 : i32
        %max3A_116 = vector.broadcast %jit3A_114 : i32 to vector<16xi32>
        %max3A_117 = arith.maxsi %max3A_116, %add3A_113 : vector<16xi32>
        %min3A_118 = vector.broadcast %jit3A_115 : i32 to vector<16xi32>
        %min3A_119 = arith.minsi %min3A_118, %max3A_117 : vector<16xi32>
        tpu.vector_store_idx %arg5[%min3A_119], %broadcast_in_dim3A_18 : memref<1024xf32, #tpu.memory_space<vmem>>[vector<16xi32>], vector<16xf32>,
        %scan3A_120 = arith.constant 4 : i32
        %scan3A_121 = arith.addi %scan3A_65, %scan3A_120 : i32
        %mul3A_122 = arith.constant 16 : i32
        %mul3A_123 = arith.muli %scan3A_121, %mul3A_122 : i32
        %get3A_124 = arith.index_cast %mul3A_123 : i32 to index
        %get3A_125 = tpu.vector_load %arg4[%get3A_124] {strides = array<i32>} : memref<4096xi32, #tpu.memory_space<vmem>>, vector<16xi32>,
        %add3A_126 = arith.constant -3 : i32
        %add3A_127 = vector.broadcast %add3A_126 : i32 to vector<16xi32>
        %add3A_128 = arith.addi %get3A_125, %add3A_127 : vector<16xi32>
        %jit3A_129 = arith.constant 0 : i32
        %jit3A_130 = arith.constant 999 : i32
        %max3A_131 = vector.broadcast %jit3A_129 : i32 to vector<16xi32>
        %max3A_132 = arith.maxsi %max3A_131, %add3A_128 : vector<16xi32>
        %min3A_133 = vector.broadcast %jit3A_130 : i32 to vector<16xi32>
        %min3A_134 = arith.minsi %min3A_133, %max3A_132 : vector<16xi32>
        tpu.vector_store_idx %arg5[%min3A_134], %broadcast_in_dim3A_18 : memref<1024xf32, #tpu.memory_space<vmem>>[vector<16xi32>], vector<16xf32>,
        %scan3A_135 = arith.constant 5 : i32
        %scan3A_136 = arith.addi %scan3A_65, %scan3A_135 : i32
        %mul3A_137 = arith.constant 16 : i32
        %mul3A_138 = arith.muli %scan3A_136, %mul3A_137 : i32
        %get3A_139 = arith.index_cast %mul3A_138 : i32 to index
        %get3A_140 = tpu.vector_load %arg4[%get3A_139] {strides = array<i32>} : memref<4096xi32, #tpu.memory_space<vmem>>, vector<16xi32>,
        %add3A_141 = arith.constant -3 : i32
        %add3A_142 = vector.broadcast %add3A_141 : i32 to vector<16xi32>
        %add3A_143 = arith.addi %get3A_140, %add3A_142 : vector<16xi32>
        %jit3A_144 = arith.constant 0 : i32
        %jit3A_145 = arith.constant 999 : i32
        %max3A_146 = vector.broadcast %jit3A_144 : i32 to vector<16xi32>
        %max3A_147 = arith.maxsi %max3A_146, %add3A_143 : vector<16xi32>
        %min3A_148 = vector.broadcast %jit3A_145 : i32 to vector<16xi32>
        %min3A_149 = arith.minsi %min3A_148, %max3A_147 : vector<16xi32>
        tpu.vector_store_idx %arg5[%min3A_149], %broadcast_in_dim3A_18 : memref<1024xf32, #tpu.memory_space<vmem>>[vector<16xi32>], vector<16xf32>,
        %scan3A_150 = arith.constant 6 : i32
        %scan3A_151 = arith.addi %scan3A_65, %scan3A_150 : i32
        %mul3A_152 = arith.constant 16 : i32
        %mul3A_153 = arith.muli %scan3A_151, %mul3A_152 : i32
        %get3A_154 = arith.index_cast %mul3A_153 : i32 to index
        %get3A_155 = tpu.vector_load %arg4[%get3A_154] {strides = array<i32>} : memref<4096xi32, #tpu.memory_space<vmem>>, vector<16xi32>,
        %add3A_156 = arith.constant -3 : i32
        %add3A_157 = vector.broadcast %add3A_156 : i32 to vector<16xi32>
        %add3A_158 = arith.addi %get3A_155, %add3A_157 : vector<16xi32>
        %jit3A_159 = arith.constant 0 : i32
        %jit3A_160 = arith.constant 999 : i32
        %max3A_161 = vector.broadcast %jit3A_159 : i32 to vector<16xi32>
        %max3A_162 = arith.maxsi %max3A_161, %add3A_158 : vector<16xi32>
        %min3A_163 = vector.broadcast %jit3A_160 : i32 to vector<16xi32>
        %min3A_164 = arith.minsi %min3A_163, %max3A_162 : vector<16xi32>
        tpu.vector_store_idx %arg5[%min3A_164], %broadcast_in_dim3A_18 : memref<1024xf32, #tpu.memory_space<vmem>>[vector<16xi32>], vector<16xf32>,
        %scan3A_165 = arith.constant 7 : i32
        %scan3A_166 = arith.addi %scan3A_65, %scan3A_165 : i32
        %mul3A_167 = arith.constant 16 : i32
        %mul3A_168 = arith.muli %scan3A_166, %mul3A_167 : i32
        %get3A_169 = arith.index_cast %mul3A_168 : i32 to index
        %get3A_170 = tpu.vector_load %arg4[%get3A_169] {strides = array<i32>} : memref<4096xi32, #tpu.memory_space<vmem>>, vector<16xi32>,
        %add3A_171 = arith.constant -3 : i32
        %add3A_172 = vector.broadcast %add3A_171 : i32 to vector<16xi32>
        %add3A_173 = arith.addi %get3A_170, %add3A_172 : vector<16xi32>
        %jit3A_174 = arith.constant 0 : i32
        %jit3A_175 = arith.constant 999 : i32
        %max3A_176 = vector.broadcast %jit3A_174 : i32 to vector<16xi32>
        %max3A_177 = arith.maxsi %max3A_176, %add3A_173 : vector<16xi32>
        %min3A_178 = vector.broadcast %jit3A_175 : i32 to vector<16xi32>
        %min3A_179 = arith.minsi %min3A_178, %max3A_177 : vector<16xi32>
        tpu.vector_store_idx %arg5[%min3A_179], %broadcast_in_dim3A_18 : memref<1024xf32, #tpu.memory_space<vmem>>[vector<16xi32>], vector<16xf32>,
      }
      %scan3A_24 = arith.constant 256 : i32
      %broadcast_in_dim3A_25 = arith.constant 0.135335281 : f32
      %broadcast_in_dim3A_26 = vector.broadcast %broadcast_in_dim3A_25 : f32 to vector<16xf32>
      %scan3A_27 = arith.constant 0 : i32
      %scan3A_28 = arith.constant 0 : i32
      %scan3A_29 = arith.constant 256 : i32
      %scan3A_30 = arith.addi %scan3A_28, %scan3A_29 : i32
      %scan3A_31 = arith.constant 8 : i32
      scf.for %scan3A_65 = %scan3A_28 to %scan3A_30 step %scan3A_31  : i32 {
        %mul3A_66 = arith.constant 16 : i32
        %mul3A_67 = arith.muli %scan3A_65, %mul3A_66 : i32
        %get3A = arith.index_cast %mul3A_67 : i32 to index
        %get3A_68 = tpu.vector_load %arg4[%get3A] {strides = array<i32>} : memref<4096xi32, #tpu.memory_space<vmem>>, vector<16xi32>,
        %add3A_69 = arith.constant 2 : i32
        %add3A_70 = vector.broadcast %add3A_69 : i32 to vector<16xi32>
        %add3A_71 = arith.addi %get3A_68, %add3A_70 : vector<16xi32>
        %jit3A = arith.constant 0 : i32
        %jit3A_72 = arith.constant 999 : i32
        %max3A = vector.broadcast %jit3A : i32 to vector<16xi32>
        %max3A_73 = arith.maxsi %max3A, %add3A_71 : vector<16xi32>
        %min3A = vector.broadcast %jit3A_72 : i32 to vector<16xi32>
        %min3A_74 = arith.minsi %min3A, %max3A_73 : vector<16xi32>
        tpu.vector_store_idx %arg5[%min3A_74], %broadcast_in_dim3A_26 : memref<1024xf32, #tpu.memory_space<vmem>>[vector<16xi32>], vector<16xf32>,
        %scan3A_75 = arith.constant 1 : i32
        %scan3A_76 = arith.addi %scan3A_65, %scan3A_75 : i32
        %mul3A_77 = arith.constant 16 : i32
        %mul3A_78 = arith.muli %scan3A_76, %mul3A_77 : i32
        %get3A_79 = arith.index_cast %mul3A_78 : i32 to index
        %get3A_80 = tpu.vector_load %arg4[%get3A_79] {strides = array<i32>} : memref<4096xi32, #tpu.memory_space<vmem>>, vector<16xi32>,
        %add3A_81 = arith.constant 2 : i32
        %add3A_82 = vector.broadcast %add3A_81 : i32 to vector<16xi32>
        %add3A_83 = arith.addi %get3A_80, %add3A_82 : vector<16xi32>
        %jit3A_84 = arith.constant 0 : i32
        %jit3A_85 = arith.constant 999 : i32
        %max3A_86 = vector.broadcast %jit3A_84 : i32 to vector<16xi32>
        %max3A_87 = arith.maxsi %max3A_86, %add3A_83 : vector<16xi32>
        %min3A_88 = vector.broadcast %jit3A_85 : i32 to vector<16xi32>
        %min3A_89 = arith.minsi %min3A_88, %max3A_87 : vector<16xi32>
        tpu.vector_store_idx %arg5[%min3A_89], %broadcast_in_dim3A_26 : memref<1024xf32, #tpu.memory_space<vmem>>[vector<16xi32>], vector<16xf32>,
        %scan3A_90 = arith.constant 2 : i32
        %scan3A_91 = arith.addi %scan3A_65, %scan3A_90 : i32
        %mul3A_92 = arith.constant 16 : i32
        %mul3A_93 = arith.muli %scan3A_91, %mul3A_92 : i32
        %get3A_94 = arith.index_cast %mul3A_93 : i32 to index
        %get3A_95 = tpu.vector_load %arg4[%get3A_94] {strides = array<i32>} : memref<4096xi32, #tpu.memory_space<vmem>>, vector<16xi32>,
        %add3A_96 = arith.constant 2 : i32
        %add3A_97 = vector.broadcast %add3A_96 : i32 to vector<16xi32>
        %add3A_98 = arith.addi %get3A_95, %add3A_97 : vector<16xi32>
        %jit3A_99 = arith.constant 0 : i32
        %jit3A_100 = arith.constant 999 : i32
        %max3A_101 = vector.broadcast %jit3A_99 : i32 to vector<16xi32>
        %max3A_102 = arith.maxsi %max3A_101, %add3A_98 : vector<16xi32>
        %min3A_103 = vector.broadcast %jit3A_100 : i32 to vector<16xi32>
        %min3A_104 = arith.minsi %min3A_103, %max3A_102 : vector<16xi32>
        tpu.vector_store_idx %arg5[%min3A_104], %broadcast_in_dim3A_26 : memref<1024xf32, #tpu.memory_space<vmem>>[vector<16xi32>], vector<16xf32>,
        %scan3A_105 = arith.constant 3 : i32
        %scan3A_106 = arith.addi %scan3A_65, %scan3A_105 : i32
        %mul3A_107 = arith.constant 16 : i32
        %mul3A_108 = arith.muli %scan3A_106, %mul3A_107 : i32
        %get3A_109 = arith.index_cast %mul3A_108 : i32 to index
        %get3A_110 = tpu.vector_load %arg4[%get3A_109] {strides = array<i32>} : memref<4096xi32, #tpu.memory_space<vmem>>, vector<16xi32>,
        %add3A_111 = arith.constant 2 : i32
        %add3A_112 = vector.broadcast %add3A_111 : i32 to vector<16xi32>
        %add3A_113 = arith.addi %get3A_110, %add3A_112 : vector<16xi32>
        %jit3A_114 = arith.constant 0 : i32
        %jit3A_115 = arith.constant 999 : i32
        %max3A_116 = vector.broadcast %jit3A_114 : i32 to vector<16xi32>
        %max3A_117 = arith.maxsi %max3A_116, %add3A_113 : vector<16xi32>
        %min3A_118 = vector.broadcast %jit3A_115 : i32 to vector<16xi32>
        %min3A_119 = arith.minsi %min3A_118, %max3A_117 : vector<16xi32>
        tpu.vector_store_idx %arg5[%min3A_119], %broadcast_in_dim3A_26 : memref<1024xf32, #tpu.memory_space<vmem>>[vector<16xi32>], vector<16xf32>,
        %scan3A_120 = arith.constant 4 : i32
        %scan3A_121 = arith.addi %scan3A_65, %scan3A_120 : i32
        %mul3A_122 = arith.constant 16 : i32
        %mul3A_123 = arith.muli %scan3A_121, %mul3A_122 : i32
        %get3A_124 = arith.index_cast %mul3A_123 : i32 to index
        %get3A_125 = tpu.vector_load %arg4[%get3A_124] {strides = array<i32>} : memref<4096xi32, #tpu.memory_space<vmem>>, vector<16xi32>,
        %add3A_126 = arith.constant 2 : i32
        %add3A_127 = vector.broadcast %add3A_126 : i32 to vector<16xi32>
        %add3A_128 = arith.addi %get3A_125, %add3A_127 : vector<16xi32>
        %jit3A_129 = arith.constant 0 : i32
        %jit3A_130 = arith.constant 999 : i32
        %max3A_131 = vector.broadcast %jit3A_129 : i32 to vector<16xi32>
        %max3A_132 = arith.maxsi %max3A_131, %add3A_128 : vector<16xi32>
        %min3A_133 = vector.broadcast %jit3A_130 : i32 to vector<16xi32>
        %min3A_134 = arith.minsi %min3A_133, %max3A_132 : vector<16xi32>
        tpu.vector_store_idx %arg5[%min3A_134], %broadcast_in_dim3A_26 : memref<1024xf32, #tpu.memory_space<vmem>>[vector<16xi32>], vector<16xf32>,
        %scan3A_135 = arith.constant 5 : i32
        %scan3A_136 = arith.addi %scan3A_65, %scan3A_135 : i32
        %mul3A_137 = arith.constant 16 : i32
        %mul3A_138 = arith.muli %scan3A_136, %mul3A_137 : i32
        %get3A_139 = arith.index_cast %mul3A_138 : i32 to index
        %get3A_140 = tpu.vector_load %arg4[%get3A_139] {strides = array<i32>} : memref<4096xi32, #tpu.memory_space<vmem>>, vector<16xi32>,
        %add3A_141 = arith.constant 2 : i32
        %add3A_142 = vector.broadcast %add3A_141 : i32 to vector<16xi32>
        %add3A_143 = arith.addi %get3A_140, %add3A_142 : vector<16xi32>
        %jit3A_144 = arith.constant 0 : i32
        %jit3A_145 = arith.constant 999 : i32
        %max3A_146 = vector.broadcast %jit3A_144 : i32 to vector<16xi32>
        %max3A_147 = arith.maxsi %max3A_146, %add3A_143 : vector<16xi32>
        %min3A_148 = vector.broadcast %jit3A_145 : i32 to vector<16xi32>
        %min3A_149 = arith.minsi %min3A_148, %max3A_147 : vector<16xi32>
        tpu.vector_store_idx %arg5[%min3A_149], %broadcast_in_dim3A_26 : memref<1024xf32, #tpu.memory_space<vmem>>[vector<16xi32>], vector<16xf32>,
        %scan3A_150 = arith.constant 6 : i32
        %scan3A_151 = arith.addi %scan3A_65, %scan3A_150 : i32
        %mul3A_152 = arith.constant 16 : i32
        %mul3A_153 = arith.muli %scan3A_151, %mul3A_152 : i32
        %get3A_154 = arith.index_cast %mul3A_153 : i32 to index
        %get3A_155 = tpu.vector_load %arg4[%get3A_154] {strides = array<i32>} : memref<4096xi32, #tpu.memory_space<vmem>>, vector<16xi32>,
        %add3A_156 = arith.constant 2 : i32
        %add3A_157 = vector.broadcast %add3A_156 : i32 to vector<16xi32>
        %add3A_158 = arith.addi %get3A_155, %add3A_157 : vector<16xi32>
        %jit3A_159 = arith.constant 0 : i32
        %jit3A_160 = arith.constant 999 : i32
        %max3A_161 = vector.broadcast %jit3A_159 : i32 to vector<16xi32>
        %max3A_162 = arith.maxsi %max3A_161, %add3A_158 : vector<16xi32>
        %min3A_163 = vector.broadcast %jit3A_160 : i32 to vector<16xi32>
        %min3A_164 = arith.minsi %min3A_163, %max3A_162 : vector<16xi32>
        tpu.vector_store_idx %arg5[%min3A_164], %broadcast_in_dim3A_26 : memref<1024xf32, #tpu.memory_space<vmem>>[vector<16xi32>], vector<16xf32>,
        %scan3A_165 = arith.constant 7 : i32
        %scan3A_166 = arith.addi %scan3A_65, %scan3A_165 : i32
        %mul3A_167 = arith.constant 16 : i32
        %mul3A_168 = arith.muli %scan3A_166, %mul3A_167 : i32
        %get3A_169 = arith.index_cast %mul3A_168 : i32 to index
        %get3A_170 = tpu.vector_load %arg4[%get3A_169] {strides = array<i32>} : memref<4096xi32, #tpu.memory_space<vmem>>, vector<16xi32>,
        %add3A_171 = arith.constant 2 : i32
        %add3A_172 = vector.broadcast %add3A_171 : i32 to vector<16xi32>
        %add3A_173 = arith.addi %get3A_170, %add3A_172 : vector<16xi32>
        %jit3A_174 = arith.constant 0 : i32
        %jit3A_175 = arith.constant 999 : i32
        %max3A_176 = vector.broadcast %jit3A_174 : i32 to vector<16xi32>
        %max3A_177 = arith.maxsi %max3A_176, %add3A_173 : vector<16xi32>
        %min3A_178 = vector.broadcast %jit3A_175 : i32 to vector<16xi32>
        %min3A_179 = arith.minsi %min3A_178, %max3A_177 : vector<16xi32>
        tpu.vector_store_idx %arg5[%min3A_179], %broadcast_in_dim3A_26 : memref<1024xf32, #tpu.memory_space<vmem>>[vector<16xi32>], vector<16xf32>,
      }
      %scan3A_32 = arith.constant 256 : i32
      %broadcast_in_dim3A_33 = arith.constant 0.135335281 : f32
      %broadcast_in_dim3A_34 = vector.broadcast %broadcast_in_dim3A_33 : f32 to vector<16xf32>
      %scan3A_35 = arith.constant 0 : i32
      %scan3A_36 = arith.constant 0 : i32
      %scan3A_37 = arith.constant 256 : i32
      %scan3A_38 = arith.addi %scan3A_36, %scan3A_37 : i32
      %scan3A_39 = arith.constant 8 : i32
      scf.for %scan3A_65 = %scan3A_36 to %scan3A_38 step %scan3A_39  : i32 {
        %mul3A_66 = arith.constant 16 : i32
        %mul3A_67 = arith.muli %scan3A_65, %mul3A_66 : i32
        %get3A = arith.index_cast %mul3A_67 : i32 to index
        %get3A_68 = tpu.vector_load %arg4[%get3A] {strides = array<i32>} : memref<4096xi32, #tpu.memory_space<vmem>>, vector<16xi32>,
        %add3A_69 = arith.constant -2 : i32
        %add3A_70 = vector.broadcast %add3A_69 : i32 to vector<16xi32>
        %add3A_71 = arith.addi %get3A_68, %add3A_70 : vector<16xi32>
        %jit3A = arith.constant 0 : i32
        %jit3A_72 = arith.constant 999 : i32
        %max3A = vector.broadcast %jit3A : i32 to vector<16xi32>
        %max3A_73 = arith.maxsi %max3A, %add3A_71 : vector<16xi32>
        %min3A = vector.broadcast %jit3A_72 : i32 to vector<16xi32>
        %min3A_74 = arith.minsi %min3A, %max3A_73 : vector<16xi32>
        tpu.vector_store_idx %arg5[%min3A_74], %broadcast_in_dim3A_34 : memref<1024xf32, #tpu.memory_space<vmem>>[vector<16xi32>], vector<16xf32>,
        %scan3A_75 = arith.constant 1 : i32
        %scan3A_76 = arith.addi %scan3A_65, %scan3A_75 : i32
        %mul3A_77 = arith.constant 16 : i32
        %mul3A_78 = arith.muli %scan3A_76, %mul3A_77 : i32
        %get3A_79 = arith.index_cast %mul3A_78 : i32 to index
        %get3A_80 = tpu.vector_load %arg4[%get3A_79] {strides = array<i32>} : memref<4096xi32, #tpu.memory_space<vmem>>, vector<16xi32>,
        %add3A_81 = arith.constant -2 : i32
        %add3A_82 = vector.broadcast %add3A_81 : i32 to vector<16xi32>
        %add3A_83 = arith.addi %get3A_80, %add3A_82 : vector<16xi32>
        %jit3A_84 = arith.constant 0 : i32
        %jit3A_85 = arith.constant 999 : i32
        %max3A_86 = vector.broadcast %jit3A_84 : i32 to vector<16xi32>
        %max3A_87 = arith.maxsi %max3A_86, %add3A_83 : vector<16xi32>
        %min3A_88 = vector.broadcast %jit3A_85 : i32 to vector<16xi32>
        %min3A_89 = arith.minsi %min3A_88, %max3A_87 : vector<16xi32>
        tpu.vector_store_idx %arg5[%min3A_89], %broadcast_in_dim3A_34 : memref<1024xf32, #tpu.memory_space<vmem>>[vector<16xi32>], vector<16xf32>,
        %scan3A_90 = arith.constant 2 : i32
        %scan3A_91 = arith.addi %scan3A_65, %scan3A_90 : i32
        %mul3A_92 = arith.constant 16 : i32
        %mul3A_93 = arith.muli %scan3A_91, %mul3A_92 : i32
        %get3A_94 = arith.index_cast %mul3A_93 : i32 to index
        %get3A_95 = tpu.vector_load %arg4[%get3A_94] {strides = array<i32>} : memref<4096xi32, #tpu.memory_space<vmem>>, vector<16xi32>,
        %add3A_96 = arith.constant -2 : i32
        %add3A_97 = vector.broadcast %add3A_96 : i32 to vector<16xi32>
        %add3A_98 = arith.addi %get3A_95, %add3A_97 : vector<16xi32>
        %jit3A_99 = arith.constant 0 : i32
        %jit3A_100 = arith.constant 999 : i32
        %max3A_101 = vector.broadcast %jit3A_99 : i32 to vector<16xi32>
        %max3A_102 = arith.maxsi %max3A_101, %add3A_98 : vector<16xi32>
        %min3A_103 = vector.broadcast %jit3A_100 : i32 to vector<16xi32>
        %min3A_104 = arith.minsi %min3A_103, %max3A_102 : vector<16xi32>
        tpu.vector_store_idx %arg5[%min3A_104], %broadcast_in_dim3A_34 : memref<1024xf32, #tpu.memory_space<vmem>>[vector<16xi32>], vector<16xf32>,
        %scan3A_105 = arith.constant 3 : i32
        %scan3A_106 = arith.addi %scan3A_65, %scan3A_105 : i32
        %mul3A_107 = arith.constant 16 : i32
        %mul3A_108 = arith.muli %scan3A_106, %mul3A_107 : i32
        %get3A_109 = arith.index_cast %mul3A_108 : i32 to index
        %get3A_110 = tpu.vector_load %arg4[%get3A_109] {strides = array<i32>} : memref<4096xi32, #tpu.memory_space<vmem>>, vector<16xi32>,
        %add3A_111 = arith.constant -2 : i32
        %add3A_112 = vector.broadcast %add3A_111 : i32 to vector<16xi32>
        %add3A_113 = arith.addi %get3A_110, %add3A_112 : vector<16xi32>
        %jit3A_114 = arith.constant 0 : i32
        %jit3A_115 = arith.constant 999 : i32
        %max3A_116 = vector.broadcast %jit3A_114 : i32 to vector<16xi32>
        %max3A_117 = arith.maxsi %max3A_116, %add3A_113 : vector<16xi32>
        %min3A_118 = vector.broadcast %jit3A_115 : i32 to vector<16xi32>
        %min3A_119 = arith.minsi %min3A_118, %max3A_117 : vector<16xi32>
        tpu.vector_store_idx %arg5[%min3A_119], %broadcast_in_dim3A_34 : memref<1024xf32, #tpu.memory_space<vmem>>[vector<16xi32>], vector<16xf32>,
        %scan3A_120 = arith.constant 4 : i32
        %scan3A_121 = arith.addi %scan3A_65, %scan3A_120 : i32
        %mul3A_122 = arith.constant 16 : i32
        %mul3A_123 = arith.muli %scan3A_121, %mul3A_122 : i32
        %get3A_124 = arith.index_cast %mul3A_123 : i32 to index
        %get3A_125 = tpu.vector_load %arg4[%get3A_124] {strides = array<i32>} : memref<4096xi32, #tpu.memory_space<vmem>>, vector<16xi32>,
        %add3A_126 = arith.constant -2 : i32
        %add3A_127 = vector.broadcast %add3A_126 : i32 to vector<16xi32>
        %add3A_128 = arith.addi %get3A_125, %add3A_127 : vector<16xi32>
        %jit3A_129 = arith.constant 0 : i32
        %jit3A_130 = arith.constant 999 : i32
        %max3A_131 = vector.broadcast %jit3A_129 : i32 to vector<16xi32>
        %max3A_132 = arith.maxsi %max3A_131, %add3A_128 : vector<16xi32>
        %min3A_133 = vector.broadcast %jit3A_130 : i32 to vector<16xi32>
        %min3A_134 = arith.minsi %min3A_133, %max3A_132 : vector<16xi32>
        tpu.vector_store_idx %arg5[%min3A_134], %broadcast_in_dim3A_34 : memref<1024xf32, #tpu.memory_space<vmem>>[vector<16xi32>], vector<16xf32>,
        %scan3A_135 = arith.constant 5 : i32
        %scan3A_136 = arith.addi %scan3A_65, %scan3A_135 : i32
        %mul3A_137 = arith.constant 16 : i32
        %mul3A_138 = arith.muli %scan3A_136, %mul3A_137 : i32
        %get3A_139 = arith.index_cast %mul3A_138 : i32 to index
        %get3A_140 = tpu.vector_load %arg4[%get3A_139] {strides = array<i32>} : memref<4096xi32, #tpu.memory_space<vmem>>, vector<16xi32>,
        %add3A_141 = arith.constant -2 : i32
        %add3A_142 = vector.broadcast %add3A_141 : i32 to vector<16xi32>
        %add3A_143 = arith.addi %get3A_140, %add3A_142 : vector<16xi32>
        %jit3A_144 = arith.constant 0 : i32
        %jit3A_145 = arith.constant 999 : i32
        %max3A_146 = vector.broadcast %jit3A_144 : i32 to vector<16xi32>
        %max3A_147 = arith.maxsi %max3A_146, %add3A_143 : vector<16xi32>
        %min3A_148 = vector.broadcast %jit3A_145 : i32 to vector<16xi32>
        %min3A_149 = arith.minsi %min3A_148, %max3A_147 : vector<16xi32>
        tpu.vector_store_idx %arg5[%min3A_149], %broadcast_in_dim3A_34 : memref<1024xf32, #tpu.memory_space<vmem>>[vector<16xi32>], vector<16xf32>,
        %scan3A_150 = arith.constant 6 : i32
        %scan3A_151 = arith.addi %scan3A_65, %scan3A_150 : i32
        %mul3A_152 = arith.constant 16 : i32
        %mul3A_153 = arith.muli %scan3A_151, %mul3A_152 : i32
        %get3A_154 = arith.index_cast %mul3A_153 : i32 to index
        %get3A_155 = tpu.vector_load %arg4[%get3A_154] {strides = array<i32>} : memref<4096xi32, #tpu.memory_space<vmem>>, vector<16xi32>,
        %add3A_156 = arith.constant -2 : i32
        %add3A_157 = vector.broadcast %add3A_156 : i32 to vector<16xi32>
        %add3A_158 = arith.addi %get3A_155, %add3A_157 : vector<16xi32>
        %jit3A_159 = arith.constant 0 : i32
        %jit3A_160 = arith.constant 999 : i32
        %max3A_161 = vector.broadcast %jit3A_159 : i32 to vector<16xi32>
        %max3A_162 = arith.maxsi %max3A_161, %add3A_158 : vector<16xi32>
        %min3A_163 = vector.broadcast %jit3A_160 : i32 to vector<16xi32>
        %min3A_164 = arith.minsi %min3A_163, %max3A_162 : vector<16xi32>
        tpu.vector_store_idx %arg5[%min3A_164], %broadcast_in_dim3A_34 : memref<1024xf32, #tpu.memory_space<vmem>>[vector<16xi32>], vector<16xf32>,
        %scan3A_165 = arith.constant 7 : i32
        %scan3A_166 = arith.addi %scan3A_65, %scan3A_165 : i32
        %mul3A_167 = arith.constant 16 : i32
        %mul3A_168 = arith.muli %scan3A_166, %mul3A_167 : i32
        %get3A_169 = arith.index_cast %mul3A_168 : i32 to index
        %get3A_170 = tpu.vector_load %arg4[%get3A_169] {strides = array<i32>} : memref<4096xi32, #tpu.memory_space<vmem>>, vector<16xi32>,
        %add3A_171 = arith.constant -2 : i32
        %add3A_172 = vector.broadcast %add3A_171 : i32 to vector<16xi32>
        %add3A_173 = arith.addi %get3A_170, %add3A_172 : vector<16xi32>
        %jit3A_174 = arith.constant 0 : i32
        %jit3A_175 = arith.constant 999 : i32
        %max3A_176 = vector.broadcast %jit3A_174 : i32 to vector<16xi32>
        %max3A_177 = arith.maxsi %max3A_176, %add3A_173 : vector<16xi32>
        %min3A_178 = vector.broadcast %jit3A_175 : i32 to vector<16xi32>
        %min3A_179 = arith.minsi %min3A_178, %max3A_177 : vector<16xi32>
        tpu.vector_store_idx %arg5[%min3A_179], %broadcast_in_dim3A_34 : memref<1024xf32, #tpu.memory_space<vmem>>[vector<16xi32>], vector<16xf32>,
      }
      %scan3A_40 = arith.constant 256 : i32
      %broadcast_in_dim3A_41 = arith.constant 0.606530666 : f32
      %broadcast_in_dim3A_42 = vector.broadcast %broadcast_in_dim3A_41 : f32 to vector<16xf32>
      %scan3A_43 = arith.constant 0 : i32
      %scan3A_44 = arith.constant 0 : i32
      %scan3A_45 = arith.constant 256 : i32
      %scan3A_46 = arith.addi %scan3A_44, %scan3A_45 : i32
      %scan3A_47 = arith.constant 8 : i32
      scf.for %scan3A_65 = %scan3A_44 to %scan3A_46 step %scan3A_47  : i32 {
        %mul3A_66 = arith.constant 16 : i32
        %mul3A_67 = arith.muli %scan3A_65, %mul3A_66 : i32
        %get3A = arith.index_cast %mul3A_67 : i32 to index
        %get3A_68 = tpu.vector_load %arg4[%get3A] {strides = array<i32>} : memref<4096xi32, #tpu.memory_space<vmem>>, vector<16xi32>,
        %add3A_69 = arith.constant 1 : i32
        %add3A_70 = vector.broadcast %add3A_69 : i32 to vector<16xi32>
        %add3A_71 = arith.addi %get3A_68, %add3A_70 : vector<16xi32>
        %jit3A = arith.constant 0 : i32
        %jit3A_72 = arith.constant 999 : i32
        %max3A = vector.broadcast %jit3A : i32 to vector<16xi32>
        %max3A_73 = arith.maxsi %max3A, %add3A_71 : vector<16xi32>
        %min3A = vector.broadcast %jit3A_72 : i32 to vector<16xi32>
        %min3A_74 = arith.minsi %min3A, %max3A_73 : vector<16xi32>
        tpu.vector_store_idx %arg5[%min3A_74], %broadcast_in_dim3A_42 : memref<1024xf32, #tpu.memory_space<vmem>>[vector<16xi32>], vector<16xf32>,
        %scan3A_75 = arith.constant 1 : i32
        %scan3A_76 = arith.addi %scan3A_65, %scan3A_75 : i32
        %mul3A_77 = arith.constant 16 : i32
        %mul3A_78 = arith.muli %scan3A_76, %mul3A_77 : i32
        %get3A_79 = arith.index_cast %mul3A_78 : i32 to index
        %get3A_80 = tpu.vector_load %arg4[%get3A_79] {strides = array<i32>} : memref<4096xi32, #tpu.memory_space<vmem>>, vector<16xi32>,
        %add3A_81 = arith.constant 1 : i32
        %add3A_82 = vector.broadcast %add3A_81 : i32 to vector<16xi32>
        %add3A_83 = arith.addi %get3A_80, %add3A_82 : vector<16xi32>
        %jit3A_84 = arith.constant 0 : i32
        %jit3A_85 = arith.constant 999 : i32
        %max3A_86 = vector.broadcast %jit3A_84 : i32 to vector<16xi32>
        %max3A_87 = arith.maxsi %max3A_86, %add3A_83 : vector<16xi32>
        %min3A_88 = vector.broadcast %jit3A_85 : i32 to vector<16xi32>
        %min3A_89 = arith.minsi %min3A_88, %max3A_87 : vector<16xi32>
        tpu.vector_store_idx %arg5[%min3A_89], %broadcast_in_dim3A_42 : memref<1024xf32, #tpu.memory_space<vmem>>[vector<16xi32>], vector<16xf32>,
        %scan3A_90 = arith.constant 2 : i32
        %scan3A_91 = arith.addi %scan3A_65, %scan3A_90 : i32
        %mul3A_92 = arith.constant 16 : i32
        %mul3A_93 = arith.muli %scan3A_91, %mul3A_92 : i32
        %get3A_94 = arith.index_cast %mul3A_93 : i32 to index
        %get3A_95 = tpu.vector_load %arg4[%get3A_94] {strides = array<i32>} : memref<4096xi32, #tpu.memory_space<vmem>>, vector<16xi32>,
        %add3A_96 = arith.constant 1 : i32
        %add3A_97 = vector.broadcast %add3A_96 : i32 to vector<16xi32>
        %add3A_98 = arith.addi %get3A_95, %add3A_97 : vector<16xi32>
        %jit3A_99 = arith.constant 0 : i32
        %jit3A_100 = arith.constant 999 : i32
        %max3A_101 = vector.broadcast %jit3A_99 : i32 to vector<16xi32>
        %max3A_102 = arith.maxsi %max3A_101, %add3A_98 : vector<16xi32>
        %min3A_103 = vector.broadcast %jit3A_100 : i32 to vector<16xi32>
        %min3A_104 = arith.minsi %min3A_103, %max3A_102 : vector<16xi32>
        tpu.vector_store_idx %arg5[%min3A_104], %broadcast_in_dim3A_42 : memref<1024xf32, #tpu.memory_space<vmem>>[vector<16xi32>], vector<16xf32>,
        %scan3A_105 = arith.constant 3 : i32
        %scan3A_106 = arith.addi %scan3A_65, %scan3A_105 : i32
        %mul3A_107 = arith.constant 16 : i32
        %mul3A_108 = arith.muli %scan3A_106, %mul3A_107 : i32
        %get3A_109 = arith.index_cast %mul3A_108 : i32 to index
        %get3A_110 = tpu.vector_load %arg4[%get3A_109] {strides = array<i32>} : memref<4096xi32, #tpu.memory_space<vmem>>, vector<16xi32>,
        %add3A_111 = arith.constant 1 : i32
        %add3A_112 = vector.broadcast %add3A_111 : i32 to vector<16xi32>
        %add3A_113 = arith.addi %get3A_110, %add3A_112 : vector<16xi32>
        %jit3A_114 = arith.constant 0 : i32
        %jit3A_115 = arith.constant 999 : i32
        %max3A_116 = vector.broadcast %jit3A_114 : i32 to vector<16xi32>
        %max3A_117 = arith.maxsi %max3A_116, %add3A_113 : vector<16xi32>
        %min3A_118 = vector.broadcast %jit3A_115 : i32 to vector<16xi32>
        %min3A_119 = arith.minsi %min3A_118, %max3A_117 : vector<16xi32>
        tpu.vector_store_idx %arg5[%min3A_119], %broadcast_in_dim3A_42 : memref<1024xf32, #tpu.memory_space<vmem>>[vector<16xi32>], vector<16xf32>,
        %scan3A_120 = arith.constant 4 : i32
        %scan3A_121 = arith.addi %scan3A_65, %scan3A_120 : i32
        %mul3A_122 = arith.constant 16 : i32
        %mul3A_123 = arith.muli %scan3A_121, %mul3A_122 : i32
        %get3A_124 = arith.index_cast %mul3A_123 : i32 to index
        %get3A_125 = tpu.vector_load %arg4[%get3A_124] {strides = array<i32>} : memref<4096xi32, #tpu.memory_space<vmem>>, vector<16xi32>,
        %add3A_126 = arith.constant 1 : i32
        %add3A_127 = vector.broadcast %add3A_126 : i32 to vector<16xi32>
        %add3A_128 = arith.addi %get3A_125, %add3A_127 : vector<16xi32>
        %jit3A_129 = arith.constant 0 : i32
        %jit3A_130 = arith.constant 999 : i32
        %max3A_131 = vector.broadcast %jit3A_129 : i32 to vector<16xi32>
        %max3A_132 = arith.maxsi %max3A_131, %add3A_128 : vector<16xi32>
        %min3A_133 = vector.broadcast %jit3A_130 : i32 to vector<16xi32>
        %min3A_134 = arith.minsi %min3A_133, %max3A_132 : vector<16xi32>
        tpu.vector_store_idx %arg5[%min3A_134], %broadcast_in_dim3A_42 : memref<1024xf32, #tpu.memory_space<vmem>>[vector<16xi32>], vector<16xf32>,
        %scan3A_135 = arith.constant 5 : i32
        %scan3A_136 = arith.addi %scan3A_65, %scan3A_135 : i32
        %mul3A_137 = arith.constant 16 : i32
        %mul3A_138 = arith.muli %scan3A_136, %mul3A_137 : i32
        %get3A_139 = arith.index_cast %mul3A_138 : i32 to index
        %get3A_140 = tpu.vector_load %arg4[%get3A_139] {strides = array<i32>} : memref<4096xi32, #tpu.memory_space<vmem>>, vector<16xi32>,
        %add3A_141 = arith.constant 1 : i32
        %add3A_142 = vector.broadcast %add3A_141 : i32 to vector<16xi32>
        %add3A_143 = arith.addi %get3A_140, %add3A_142 : vector<16xi32>
        %jit3A_144 = arith.constant 0 : i32
        %jit3A_145 = arith.constant 999 : i32
        %max3A_146 = vector.broadcast %jit3A_144 : i32 to vector<16xi32>
        %max3A_147 = arith.maxsi %max3A_146, %add3A_143 : vector<16xi32>
        %min3A_148 = vector.broadcast %jit3A_145 : i32 to vector<16xi32>
        %min3A_149 = arith.minsi %min3A_148, %max3A_147 : vector<16xi32>
        tpu.vector_store_idx %arg5[%min3A_149], %broadcast_in_dim3A_42 : memref<1024xf32, #tpu.memory_space<vmem>>[vector<16xi32>], vector<16xf32>,
        %scan3A_150 = arith.constant 6 : i32
        %scan3A_151 = arith.addi %scan3A_65, %scan3A_150 : i32
        %mul3A_152 = arith.constant 16 : i32
        %mul3A_153 = arith.muli %scan3A_151, %mul3A_152 : i32
        %get3A_154 = arith.index_cast %mul3A_153 : i32 to index
        %get3A_155 = tpu.vector_load %arg4[%get3A_154] {strides = array<i32>} : memref<4096xi32, #tpu.memory_space<vmem>>, vector<16xi32>,
        %add3A_156 = arith.constant 1 : i32
        %add3A_157 = vector.broadcast %add3A_156 : i32 to vector<16xi32>
        %add3A_158 = arith.addi %get3A_155, %add3A_157 : vector<16xi32>
        %jit3A_159 = arith.constant 0 : i32
        %jit3A_160 = arith.constant 999 : i32
        %max3A_161 = vector.broadcast %jit3A_159 : i32 to vector<16xi32>
        %max3A_162 = arith.maxsi %max3A_161, %add3A_158 : vector<16xi32>
        %min3A_163 = vector.broadcast %jit3A_160 : i32 to vector<16xi32>
        %min3A_164 = arith.minsi %min3A_163, %max3A_162 : vector<16xi32>
        tpu.vector_store_idx %arg5[%min3A_164], %broadcast_in_dim3A_42 : memref<1024xf32, #tpu.memory_space<vmem>>[vector<16xi32>], vector<16xf32>,
        %scan3A_165 = arith.constant 7 : i32
        %scan3A_166 = arith.addi %scan3A_65, %scan3A_165 : i32
        %mul3A_167 = arith.constant 16 : i32
        %mul3A_168 = arith.muli %scan3A_166, %mul3A_167 : i32
        %get3A_169 = arith.index_cast %mul3A_168 : i32 to index
        %get3A_170 = tpu.vector_load %arg4[%get3A_169] {strides = array<i32>} : memref<4096xi32, #tpu.memory_space<vmem>>, vector<16xi32>,
        %add3A_171 = arith.constant 1 : i32
        %add3A_172 = vector.broadcast %add3A_171 : i32 to vector<16xi32>
        %add3A_173 = arith.addi %get3A_170, %add3A_172 : vector<16xi32>
        %jit3A_174 = arith.constant 0 : i32
        %jit3A_175 = arith.constant 999 : i32
        %max3A_176 = vector.broadcast %jit3A_174 : i32 to vector<16xi32>
        %max3A_177 = arith.maxsi %max3A_176, %add3A_173 : vector<16xi32>
        %min3A_178 = vector.broadcast %jit3A_175 : i32 to vector<16xi32>
        %min3A_179 = arith.minsi %min3A_178, %max3A_177 : vector<16xi32>
        tpu.vector_store_idx %arg5[%min3A_179], %broadcast_in_dim3A_42 : memref<1024xf32, #tpu.memory_space<vmem>>[vector<16xi32>], vector<16xf32>,
      }
      %scan3A_48 = arith.constant 256 : i32
      %broadcast_in_dim3A_49 = arith.constant 0.606530666 : f32
      %broadcast_in_dim3A_50 = vector.broadcast %broadcast_in_dim3A_49 : f32 to vector<16xf32>
      %scan3A_51 = arith.constant 0 : i32
      %scan3A_52 = arith.constant 0 : i32
      %scan3A_53 = arith.constant 256 : i32
      %scan3A_54 = arith.addi %scan3A_52, %scan3A_53 : i32
      %scan3A_55 = arith.constant 8 : i32
      scf.for %scan3A_65 = %scan3A_52 to %scan3A_54 step %scan3A_55  : i32 {
        %mul3A_66 = arith.constant 16 : i32
        %mul3A_67 = arith.muli %scan3A_65, %mul3A_66 : i32
        %get3A = arith.index_cast %mul3A_67 : i32 to index
        %get3A_68 = tpu.vector_load %arg4[%get3A] {strides = array<i32>} : memref<4096xi32, #tpu.memory_space<vmem>>, vector<16xi32>,
        %add3A_69 = arith.constant -1 : i32
        %add3A_70 = vector.broadcast %add3A_69 : i32 to vector<16xi32>
        %add3A_71 = arith.addi %get3A_68, %add3A_70 : vector<16xi32>
        %jit3A = arith.constant 0 : i32
        %jit3A_72 = arith.constant 999 : i32
        %max3A = vector.broadcast %jit3A : i32 to vector<16xi32>
        %max3A_73 = arith.maxsi %max3A, %add3A_71 : vector<16xi32>
        %min3A = vector.broadcast %jit3A_72 : i32 to vector<16xi32>
        %min3A_74 = arith.minsi %min3A, %max3A_73 : vector<16xi32>
        tpu.vector_store_idx %arg5[%min3A_74], %broadcast_in_dim3A_50 : memref<1024xf32, #tpu.memory_space<vmem>>[vector<16xi32>], vector<16xf32>,
        %scan3A_75 = arith.constant 1 : i32
        %scan3A_76 = arith.addi %scan3A_65, %scan3A_75 : i32
        %mul3A_77 = arith.constant 16 : i32
        %mul3A_78 = arith.muli %scan3A_76, %mul3A_77 : i32
        %get3A_79 = arith.index_cast %mul3A_78 : i32 to index
        %get3A_80 = tpu.vector_load %arg4[%get3A_79] {strides = array<i32>} : memref<4096xi32, #tpu.memory_space<vmem>>, vector<16xi32>,
        %add3A_81 = arith.constant -1 : i32
        %add3A_82 = vector.broadcast %add3A_81 : i32 to vector<16xi32>
        %add3A_83 = arith.addi %get3A_80, %add3A_82 : vector<16xi32>
        %jit3A_84 = arith.constant 0 : i32
        %jit3A_85 = arith.constant 999 : i32
        %max3A_86 = vector.broadcast %jit3A_84 : i32 to vector<16xi32>
        %max3A_87 = arith.maxsi %max3A_86, %add3A_83 : vector<16xi32>
        %min3A_88 = vector.broadcast %jit3A_85 : i32 to vector<16xi32>
        %min3A_89 = arith.minsi %min3A_88, %max3A_87 : vector<16xi32>
        tpu.vector_store_idx %arg5[%min3A_89], %broadcast_in_dim3A_50 : memref<1024xf32, #tpu.memory_space<vmem>>[vector<16xi32>], vector<16xf32>,
        %scan3A_90 = arith.constant 2 : i32
        %scan3A_91 = arith.addi %scan3A_65, %scan3A_90 : i32
        %mul3A_92 = arith.constant 16 : i32
        %mul3A_93 = arith.muli %scan3A_91, %mul3A_92 : i32
        %get3A_94 = arith.index_cast %mul3A_93 : i32 to index
        %get3A_95 = tpu.vector_load %arg4[%get3A_94] {strides = array<i32>} : memref<4096xi32, #tpu.memory_space<vmem>>, vector<16xi32>,
        %add3A_96 = arith.constant -1 : i32
        %add3A_97 = vector.broadcast %add3A_96 : i32 to vector<16xi32>
        %add3A_98 = arith.addi %get3A_95, %add3A_97 : vector<16xi32>
        %jit3A_99 = arith.constant 0 : i32
        %jit3A_100 = arith.constant 999 : i32
        %max3A_101 = vector.broadcast %jit3A_99 : i32 to vector<16xi32>
        %max3A_102 = arith.maxsi %max3A_101, %add3A_98 : vector<16xi32>
        %min3A_103 = vector.broadcast %jit3A_100 : i32 to vector<16xi32>
        %min3A_104 = arith.minsi %min3A_103, %max3A_102 : vector<16xi32>
        tpu.vector_store_idx %arg5[%min3A_104], %broadcast_in_dim3A_50 : memref<1024xf32, #tpu.memory_space<vmem>>[vector<16xi32>], vector<16xf32>,
        %scan3A_105 = arith.constant 3 : i32
        %scan3A_106 = arith.addi %scan3A_65, %scan3A_105 : i32
        %mul3A_107 = arith.constant 16 : i32
        %mul3A_108 = arith.muli %scan3A_106, %mul3A_107 : i32
        %get3A_109 = arith.index_cast %mul3A_108 : i32 to index
        %get3A_110 = tpu.vector_load %arg4[%get3A_109] {strides = array<i32>} : memref<4096xi32, #tpu.memory_space<vmem>>, vector<16xi32>,
        %add3A_111 = arith.constant -1 : i32
        %add3A_112 = vector.broadcast %add3A_111 : i32 to vector<16xi32>
        %add3A_113 = arith.addi %get3A_110, %add3A_112 : vector<16xi32>
        %jit3A_114 = arith.constant 0 : i32
        %jit3A_115 = arith.constant 999 : i32
        %max3A_116 = vector.broadcast %jit3A_114 : i32 to vector<16xi32>
        %max3A_117 = arith.maxsi %max3A_116, %add3A_113 : vector<16xi32>
        %min3A_118 = vector.broadcast %jit3A_115 : i32 to vector<16xi32>
        %min3A_119 = arith.minsi %min3A_118, %max3A_117 : vector<16xi32>
        tpu.vector_store_idx %arg5[%min3A_119], %broadcast_in_dim3A_50 : memref<1024xf32, #tpu.memory_space<vmem>>[vector<16xi32>], vector<16xf32>,
        %scan3A_120 = arith.constant 4 : i32
        %scan3A_121 = arith.addi %scan3A_65, %scan3A_120 : i32
        %mul3A_122 = arith.constant 16 : i32
        %mul3A_123 = arith.muli %scan3A_121, %mul3A_122 : i32
        %get3A_124 = arith.index_cast %mul3A_123 : i32 to index
        %get3A_125 = tpu.vector_load %arg4[%get3A_124] {strides = array<i32>} : memref<4096xi32, #tpu.memory_space<vmem>>, vector<16xi32>,
        %add3A_126 = arith.constant -1 : i32
        %add3A_127 = vector.broadcast %add3A_126 : i32 to vector<16xi32>
        %add3A_128 = arith.addi %get3A_125, %add3A_127 : vector<16xi32>
        %jit3A_129 = arith.constant 0 : i32
        %jit3A_130 = arith.constant 999 : i32
        %max3A_131 = vector.broadcast %jit3A_129 : i32 to vector<16xi32>
        %max3A_132 = arith.maxsi %max3A_131, %add3A_128 : vector<16xi32>
        %min3A_133 = vector.broadcast %jit3A_130 : i32 to vector<16xi32>
        %min3A_134 = arith.minsi %min3A_133, %max3A_132 : vector<16xi32>
        tpu.vector_store_idx %arg5[%min3A_134], %broadcast_in_dim3A_50 : memref<1024xf32, #tpu.memory_space<vmem>>[vector<16xi32>], vector<16xf32>,
        %scan3A_135 = arith.constant 5 : i32
        %scan3A_136 = arith.addi %scan3A_65, %scan3A_135 : i32
        %mul3A_137 = arith.constant 16 : i32
        %mul3A_138 = arith.muli %scan3A_136, %mul3A_137 : i32
        %get3A_139 = arith.index_cast %mul3A_138 : i32 to index
        %get3A_140 = tpu.vector_load %arg4[%get3A_139] {strides = array<i32>} : memref<4096xi32, #tpu.memory_space<vmem>>, vector<16xi32>,
        %add3A_141 = arith.constant -1 : i32
        %add3A_142 = vector.broadcast %add3A_141 : i32 to vector<16xi32>
        %add3A_143 = arith.addi %get3A_140, %add3A_142 : vector<16xi32>
        %jit3A_144 = arith.constant 0 : i32
        %jit3A_145 = arith.constant 999 : i32
        %max3A_146 = vector.broadcast %jit3A_144 : i32 to vector<16xi32>
        %max3A_147 = arith.maxsi %max3A_146, %add3A_143 : vector<16xi32>
        %min3A_148 = vector.broadcast %jit3A_145 : i32 to vector<16xi32>
        %min3A_149 = arith.minsi %min3A_148, %max3A_147 : vector<16xi32>
        tpu.vector_store_idx %arg5[%min3A_149], %broadcast_in_dim3A_50 : memref<1024xf32, #tpu.memory_space<vmem>>[vector<16xi32>], vector<16xf32>,
        %scan3A_150 = arith.constant 6 : i32
        %scan3A_151 = arith.addi %scan3A_65, %scan3A_150 : i32
        %mul3A_152 = arith.constant 16 : i32
        %mul3A_153 = arith.muli %scan3A_151, %mul3A_152 : i32
        %get3A_154 = arith.index_cast %mul3A_153 : i32 to index
        %get3A_155 = tpu.vector_load %arg4[%get3A_154] {strides = array<i32>} : memref<4096xi32, #tpu.memory_space<vmem>>, vector<16xi32>,
        %add3A_156 = arith.constant -1 : i32
        %add3A_157 = vector.broadcast %add3A_156 : i32 to vector<16xi32>
        %add3A_158 = arith.addi %get3A_155, %add3A_157 : vector<16xi32>
        %jit3A_159 = arith.constant 0 : i32
        %jit3A_160 = arith.constant 999 : i32
        %max3A_161 = vector.broadcast %jit3A_159 : i32 to vector<16xi32>
        %max3A_162 = arith.maxsi %max3A_161, %add3A_158 : vector<16xi32>
        %min3A_163 = vector.broadcast %jit3A_160 : i32 to vector<16xi32>
        %min3A_164 = arith.minsi %min3A_163, %max3A_162 : vector<16xi32>
        tpu.vector_store_idx %arg5[%min3A_164], %broadcast_in_dim3A_50 : memref<1024xf32, #tpu.memory_space<vmem>>[vector<16xi32>], vector<16xf32>,
        %scan3A_165 = arith.constant 7 : i32
        %scan3A_166 = arith.addi %scan3A_65, %scan3A_165 : i32
        %mul3A_167 = arith.constant 16 : i32
        %mul3A_168 = arith.muli %scan3A_166, %mul3A_167 : i32
        %get3A_169 = arith.index_cast %mul3A_168 : i32 to index
        %get3A_170 = tpu.vector_load %arg4[%get3A_169] {strides = array<i32>} : memref<4096xi32, #tpu.memory_space<vmem>>, vector<16xi32>,
        %add3A_171 = arith.constant -1 : i32
        %add3A_172 = vector.broadcast %add3A_171 : i32 to vector<16xi32>
        %add3A_173 = arith.addi %get3A_170, %add3A_172 : vector<16xi32>
        %jit3A_174 = arith.constant 0 : i32
        %jit3A_175 = arith.constant 999 : i32
        %max3A_176 = vector.broadcast %jit3A_174 : i32 to vector<16xi32>
        %max3A_177 = arith.maxsi %max3A_176, %add3A_173 : vector<16xi32>
        %min3A_178 = vector.broadcast %jit3A_175 : i32 to vector<16xi32>
        %min3A_179 = arith.minsi %min3A_178, %max3A_177 : vector<16xi32>
        tpu.vector_store_idx %arg5[%min3A_179], %broadcast_in_dim3A_50 : memref<1024xf32, #tpu.memory_space<vmem>>[vector<16xi32>], vector<16xf32>,
      }
      %scan3A_56 = arith.constant 256 : i32
      %broadcast_in_dim3A_57 = arith.constant 1.000000e+00 : f32
      %broadcast_in_dim3A_58 = vector.broadcast %broadcast_in_dim3A_57 : f32 to vector<16xf32>
      %scan3A_59 = arith.constant 0 : i32
      %scan3A_60 = arith.constant 0 : i32
      %scan3A_61 = arith.constant 256 : i32
      %scan3A_62 = arith.addi %scan3A_60, %scan3A_61 : i32
      %scan3A_63 = arith.constant 8 : i32
      scf.for %scan3A_65 = %scan3A_60 to %scan3A_62 step %scan3A_63  : i32 {
        %mul3A_66 = arith.constant 16 : i32
        %mul3A_67 = arith.muli %scan3A_65, %mul3A_66 : i32
        %get3A = arith.index_cast %mul3A_67 : i32 to index
        %get3A_68 = tpu.vector_load %arg4[%get3A] {strides = array<i32>} : memref<4096xi32, #tpu.memory_space<vmem>>, vector<16xi32>,
        %add3A_69 = arith.constant 0 : i32
        %add3A_70 = vector.broadcast %add3A_69 : i32 to vector<16xi32>
        %add3A_71 = arith.addi %get3A_68, %add3A_70 : vector<16xi32>
        %jit3A = arith.constant 0 : i32
        %jit3A_72 = arith.constant 999 : i32
        %max3A = vector.broadcast %jit3A : i32 to vector<16xi32>
        %max3A_73 = arith.maxsi %max3A, %add3A_71 : vector<16xi32>
        %min3A = vector.broadcast %jit3A_72 : i32 to vector<16xi32>
        %min3A_74 = arith.minsi %min3A, %max3A_73 : vector<16xi32>
        tpu.vector_store_idx %arg5[%min3A_74], %broadcast_in_dim3A_58 : memref<1024xf32, #tpu.memory_space<vmem>>[vector<16xi32>], vector<16xf32>,
        %scan3A_75 = arith.constant 1 : i32
        %scan3A_76 = arith.addi %scan3A_65, %scan3A_75 : i32
        %mul3A_77 = arith.constant 16 : i32
        %mul3A_78 = arith.muli %scan3A_76, %mul3A_77 : i32
        %get3A_79 = arith.index_cast %mul3A_78 : i32 to index
        %get3A_80 = tpu.vector_load %arg4[%get3A_79] {strides = array<i32>} : memref<4096xi32, #tpu.memory_space<vmem>>, vector<16xi32>,
        %add3A_81 = arith.constant 0 : i32
        %add3A_82 = vector.broadcast %add3A_81 : i32 to vector<16xi32>
        %add3A_83 = arith.addi %get3A_80, %add3A_82 : vector<16xi32>
        %jit3A_84 = arith.constant 0 : i32
        %jit3A_85 = arith.constant 999 : i32
        %max3A_86 = vector.broadcast %jit3A_84 : i32 to vector<16xi32>
        %max3A_87 = arith.maxsi %max3A_86, %add3A_83 : vector<16xi32>
        %min3A_88 = vector.broadcast %jit3A_85 : i32 to vector<16xi32>
        %min3A_89 = arith.minsi %min3A_88, %max3A_87 : vector<16xi32>
        tpu.vector_store_idx %arg5[%min3A_89], %broadcast_in_dim3A_58 : memref<1024xf32, #tpu.memory_space<vmem>>[vector<16xi32>], vector<16xf32>,
        %scan3A_90 = arith.constant 2 : i32
        %scan3A_91 = arith.addi %scan3A_65, %scan3A_90 : i32
        %mul3A_92 = arith.constant 16 : i32
        %mul3A_93 = arith.muli %scan3A_91, %mul3A_92 : i32
        %get3A_94 = arith.index_cast %mul3A_93 : i32 to index
        %get3A_95 = tpu.vector_load %arg4[%get3A_94] {strides = array<i32>} : memref<4096xi32, #tpu.memory_space<vmem>>, vector<16xi32>,
        %add3A_96 = arith.constant 0 : i32
        %add3A_97 = vector.broadcast %add3A_96 : i32 to vector<16xi32>
        %add3A_98 = arith.addi %get3A_95, %add3A_97 : vector<16xi32>
        %jit3A_99 = arith.constant 0 : i32
        %jit3A_100 = arith.constant 999 : i32
        %max3A_101 = vector.broadcast %jit3A_99 : i32 to vector<16xi32>
        %max3A_102 = arith.maxsi %max3A_101, %add3A_98 : vector<16xi32>
        %min3A_103 = vector.broadcast %jit3A_100 : i32 to vector<16xi32>
        %min3A_104 = arith.minsi %min3A_103, %max3A_102 : vector<16xi32>
        tpu.vector_store_idx %arg5[%min3A_104], %broadcast_in_dim3A_58 : memref<1024xf32, #tpu.memory_space<vmem>>[vector<16xi32>], vector<16xf32>,
        %scan3A_105 = arith.constant 3 : i32
        %scan3A_106 = arith.addi %scan3A_65, %scan3A_105 : i32
        %mul3A_107 = arith.constant 16 : i32
        %mul3A_108 = arith.muli %scan3A_106, %mul3A_107 : i32
        %get3A_109 = arith.index_cast %mul3A_108 : i32 to index
        %get3A_110 = tpu.vector_load %arg4[%get3A_109] {strides = array<i32>} : memref<4096xi32, #tpu.memory_space<vmem>>, vector<16xi32>,
        %add3A_111 = arith.constant 0 : i32
        %add3A_112 = vector.broadcast %add3A_111 : i32 to vector<16xi32>
        %add3A_113 = arith.addi %get3A_110, %add3A_112 : vector<16xi32>
        %jit3A_114 = arith.constant 0 : i32
        %jit3A_115 = arith.constant 999 : i32
        %max3A_116 = vector.broadcast %jit3A_114 : i32 to vector<16xi32>
        %max3A_117 = arith.maxsi %max3A_116, %add3A_113 : vector<16xi32>
        %min3A_118 = vector.broadcast %jit3A_115 : i32 to vector<16xi32>
        %min3A_119 = arith.minsi %min3A_118, %max3A_117 : vector<16xi32>
        tpu.vector_store_idx %arg5[%min3A_119], %broadcast_in_dim3A_58 : memref<1024xf32, #tpu.memory_space<vmem>>[vector<16xi32>], vector<16xf32>,
        %scan3A_120 = arith.constant 4 : i32
        %scan3A_121 = arith.addi %scan3A_65, %scan3A_120 : i32
        %mul3A_122 = arith.constant 16 : i32
        %mul3A_123 = arith.muli %scan3A_121, %mul3A_122 : i32
        %get3A_124 = arith.index_cast %mul3A_123 : i32 to index
        %get3A_125 = tpu.vector_load %arg4[%get3A_124] {strides = array<i32>} : memref<4096xi32, #tpu.memory_space<vmem>>, vector<16xi32>,
        %add3A_126 = arith.constant 0 : i32
        %add3A_127 = vector.broadcast %add3A_126 : i32 to vector<16xi32>
        %add3A_128 = arith.addi %get3A_125, %add3A_127 : vector<16xi32>
        %jit3A_129 = arith.constant 0 : i32
        %jit3A_130 = arith.constant 999 : i32
        %max3A_131 = vector.broadcast %jit3A_129 : i32 to vector<16xi32>
        %max3A_132 = arith.maxsi %max3A_131, %add3A_128 : vector<16xi32>
        %min3A_133 = vector.broadcast %jit3A_130 : i32 to vector<16xi32>
        %min3A_134 = arith.minsi %min3A_133, %max3A_132 : vector<16xi32>
        tpu.vector_store_idx %arg5[%min3A_134], %broadcast_in_dim3A_58 : memref<1024xf32, #tpu.memory_space<vmem>>[vector<16xi32>], vector<16xf32>,
        %scan3A_135 = arith.constant 5 : i32
        %scan3A_136 = arith.addi %scan3A_65, %scan3A_135 : i32
        %mul3A_137 = arith.constant 16 : i32
        %mul3A_138 = arith.muli %scan3A_136, %mul3A_137 : i32
        %get3A_139 = arith.index_cast %mul3A_138 : i32 to index
        %get3A_140 = tpu.vector_load %arg4[%get3A_139] {strides = array<i32>} : memref<4096xi32, #tpu.memory_space<vmem>>, vector<16xi32>,
        %add3A_141 = arith.constant 0 : i32
        %add3A_142 = vector.broadcast %add3A_141 : i32 to vector<16xi32>
        %add3A_143 = arith.addi %get3A_140, %add3A_142 : vector<16xi32>
        %jit3A_144 = arith.constant 0 : i32
        %jit3A_145 = arith.constant 999 : i32
        %max3A_146 = vector.broadcast %jit3A_144 : i32 to vector<16xi32>
        %max3A_147 = arith.maxsi %max3A_146, %add3A_143 : vector<16xi32>
        %min3A_148 = vector.broadcast %jit3A_145 : i32 to vector<16xi32>
        %min3A_149 = arith.minsi %min3A_148, %max3A_147 : vector<16xi32>
        tpu.vector_store_idx %arg5[%min3A_149], %broadcast_in_dim3A_58 : memref<1024xf32, #tpu.memory_space<vmem>>[vector<16xi32>], vector<16xf32>,
        %scan3A_150 = arith.constant 6 : i32
        %scan3A_151 = arith.addi %scan3A_65, %scan3A_150 : i32
        %mul3A_152 = arith.constant 16 : i32
        %mul3A_153 = arith.muli %scan3A_151, %mul3A_152 : i32
        %get3A_154 = arith.index_cast %mul3A_153 : i32 to index
        %get3A_155 = tpu.vector_load %arg4[%get3A_154] {strides = array<i32>} : memref<4096xi32, #tpu.memory_space<vmem>>, vector<16xi32>,
        %add3A_156 = arith.constant 0 : i32
        %add3A_157 = vector.broadcast %add3A_156 : i32 to vector<16xi32>
        %add3A_158 = arith.addi %get3A_155, %add3A_157 : vector<16xi32>
        %jit3A_159 = arith.constant 0 : i32
        %jit3A_160 = arith.constant 999 : i32
        %max3A_161 = vector.broadcast %jit3A_159 : i32 to vector<16xi32>
        %max3A_162 = arith.maxsi %max3A_161, %add3A_158 : vector<16xi32>
        %min3A_163 = vector.broadcast %jit3A_160 : i32 to vector<16xi32>
        %min3A_164 = arith.minsi %min3A_163, %max3A_162 : vector<16xi32>
        tpu.vector_store_idx %arg5[%min3A_164], %broadcast_in_dim3A_58 : memref<1024xf32, #tpu.memory_space<vmem>>[vector<16xi32>], vector<16xf32>,
        %scan3A_165 = arith.constant 7 : i32
        %scan3A_166 = arith.addi %scan3A_65, %scan3A_165 : i32
        %mul3A_167 = arith.constant 16 : i32
        %mul3A_168 = arith.muli %scan3A_166, %mul3A_167 : i32
        %get3A_169 = arith.index_cast %mul3A_168 : i32 to index
        %get3A_170 = tpu.vector_load %arg4[%get3A_169] {strides = array<i32>} : memref<4096xi32, #tpu.memory_space<vmem>>, vector<16xi32>,
        %add3A_171 = arith.constant 0 : i32
        %add3A_172 = vector.broadcast %add3A_171 : i32 to vector<16xi32>
        %add3A_173 = arith.addi %get3A_170, %add3A_172 : vector<16xi32>
        %jit3A_174 = arith.constant 0 : i32
        %jit3A_175 = arith.constant 999 : i32
        %max3A_176 = vector.broadcast %jit3A_174 : i32 to vector<16xi32>
        %max3A_177 = arith.maxsi %max3A_176, %add3A_173 : vector<16xi32>
        %min3A_178 = vector.broadcast %jit3A_175 : i32 to vector<16xi32>
        %min3A_179 = arith.minsi %min3A_178, %max3A_177 : vector<16xi32>
        tpu.vector_store_idx %arg5[%min3A_179], %broadcast_in_dim3A_58 : memref<1024xf32, #tpu.memory_space<vmem>>[vector<16xi32>], vector<16xf32>,
      }
      %scan3A_64 = arith.constant 256 : i32
      "tpu.region"() ({
        %run_scoped3A = tpu.sem_alloc : memref<!tpu.dma_semaphore, #tpu.memory_space<semaphore_mem>>
        %dma_start3A = arith.constant 0 : i32
        %dma_start3A_65 = tpu.memref_slice %arg3[%add3A, %dma_start3A] : memref<4x1024xf32, #tpu.memory_space<hbm>> -> memref<1x1024xf32, #tpu.memory_space<hbm>>
        %dma_start3A_66 = tpu.memref_squeeze %dma_start3A_65 : memref<1x1024xf32, #tpu.memory_space<hbm>> -> memref<1024xf32, #tpu.memory_space<hbm>>
        %dma_start3A_67 = arith.constant 0 : i32
        %dma_start3A_68 = tpu.memref_slice %arg3[%add3A, %dma_start3A_67] : memref<4x1024xf32, #tpu.memory_space<hbm>> -> memref<1x1024xf32, #tpu.memory_space<hbm>>
        %dma_start3A_69 = tpu.memref_squeeze %dma_start3A_68 : memref<1x1024xf32, #tpu.memory_space<hbm>> -> memref<1024xf32, #tpu.memory_space<hbm>>
        tpu.enqueue_dma source(%arg5 : memref<1024xf32, #tpu.memory_space<vmem>>) target(%dma_start3A_69 : memref<1024xf32, #tpu.memory_space<hbm>>) target_semaphore(%run_scoped3A : memref<!tpu.dma_semaphore, #tpu.memory_space<semaphore_mem>>)
        %dma_wait3A = arith.constant 0 : i32
        %dma_wait3A_70 = tpu.memref_slice %arg3[%add3A, %dma_wait3A] : memref<4x1024xf32, #tpu.memory_space<hbm>> -> memref<1x1024xf32, #tpu.memory_space<hbm>>
        %dma_wait3A_71 = tpu.memref_squeeze %dma_wait3A_70 : memref<1x1024xf32, #tpu.memory_space<hbm>> -> memref<1024xf32, #tpu.memory_space<hbm>>
        %dma_wait3A_72 = arith.constant 0 : i32
        %dma_wait3A_73 = tpu.memref_slice %arg3[%add3A, %dma_wait3A_72] : memref<4x1024xf32, #tpu.memory_space<hbm>> -> memref<1x1024xf32, #tpu.memory_space<hbm>>
        %dma_wait3A_74 = tpu.memref_squeeze %dma_wait3A_73 : memref<1x1024xf32, #tpu.memory_space<hbm>> -> memref<1024xf32, #tpu.memory_space<hbm>>
        tpu.wait_dma2 semaphore(%run_scoped3A : memref<!tpu.dma_semaphore, #tpu.memory_space<semaphore_mem>>) src(%arg5 : memref<1024xf32, #tpu.memory_space<vmem>>) dst(%dma_wait3A_74 : memref<1024xf32, #tpu.memory_space<hbm>>)
        tpu.yield
      }) : () -> ()
    } else {
    }
    return
  }
}

module attributes {stable_mosaic.version = 14 : i64} {
  func.func @_loss_body(%arg0: i32, %arg1: i32, %arg2: memref<1x1024x1000xf32, #tpu.memory_space<vmem>>, %arg3: memref<1x1x1024xf32, #tpu.memory_space<vmem>>, %arg4: memref<1x1xf32, #tpu.memory_space<smem>>) attributes {dimension_semantics = [#tpu.dimension_semantics<arbitrary>, #tpu.dimension_semantics<arbitrary>], iteration_bounds = array<i64: 4, 1>, scalar_prefetch = 0 : i64, scratch_operands = 0 : i64, tpu.core_type = #tpu.core_type<tc>, window_params = [{transform_indices = @transform_0, window_bounds = array<i64: 1, 1024, 1000>}, {transform_indices = @transform_1, window_bounds = array<i64: 1, 1, 1024>}, {transform_indices = @transform_2, window_bounds = array<i64: 1, 1>}]} {
    %mul3A = arith.constant 1 : i32
    %mul3A_0 = arith.muli %arg0, %mul3A : i32
    %add3A = arith.addi %mul3A_0, %arg1 : i32
    %get3A = arith.constant 0 : index
    %get3A_1 = arith.constant 0 : index
    %get3A_2 = arith.constant 0 : index
    %get3A_3 = vector.load %arg2[%get3A, %get3A_1, %get3A_2] : memref<1x1024x1000xf32, #tpu.memory_space<vmem>>, vector<1x1024x1000xf32>
    %get3A_4 = vector.shape_cast %get3A_3 : vector<1x1024x1000xf32> to vector<1024x1000xf32>
    %reduce_max3A = arith.constant dense<0xFF800000> : vector<1024xf32>
    %reduce_max3A_5 = vector.multi_reduction <maximumf>, %get3A_4, %reduce_max3A [1] : vector<1024x1000xf32> to vector<1024xf32>
    %broadcast_in_dim3A = vector.shape_cast %reduce_max3A_5 : vector<1024xf32> to vector<1024x1xf32>
    %sub3A = vector.broadcast %broadcast_in_dim3A : vector<1024x1xf32> to vector<1024x1000xf32>
    %sub3A_6 = arith.subf %get3A_4, %sub3A : vector<1024x1000xf32>
    %exp3A = math.exp %sub3A_6 : vector<1024x1000xf32>
    %reduce_sum3A = arith.constant dense<0.000000e+00> : vector<1024xf32>
    %reduce_sum3A_7 = vector.multi_reduction <add>, %exp3A, %reduce_sum3A [1] : vector<1024x1000xf32> to vector<1024xf32>
    %log3A = math.log %reduce_sum3A_7 : vector<1024xf32>
    %add3A_8 = arith.addf %reduce_max3A_5, %log3A : vector<1024xf32>
    %slice3A = vector.extract_strided_slice %get3A_4 {offsets = [0, 0], sizes = [1024, 1], strides = [1, 1]} : vector<1024x1000xf32> to vector<1024x1xf32>
    %squeeze3A = vector.shape_cast %slice3A : vector<1024x1xf32> to vector<1024xf32>
    %sub3A_9 = arith.subf %squeeze3A, %add3A_8 : vector<1024xf32>
    %get3A_10 = arith.constant 0 : index
    %get3A_11 = arith.constant 0 : index
    %get3A_12 = arith.constant 0 : index
    %get3A_13 = vector.load %arg3[%get3A_10, %get3A_11, %get3A_12] : memref<1x1x1024xf32, #tpu.memory_space<vmem>>, vector<1x1x1024xf32>
    %get3A_14 = vector.shape_cast %get3A_13 : vector<1x1x1024xf32> to vector<1024xf32>
    %mul3A_15 = arith.mulf %get3A_14, %sub3A_9 : vector<1024xf32>
    %reduce_sum3A_16 = vector.shape_cast %mul3A_15 : vector<1024xf32> to vector<1x1024xf32>
    %reduce_sum3A_17 = arith.constant dense<0.000000e+00> : vector<1xf32>
    %reduce_sum3A_18 = vector.multi_reduction <add>, %reduce_sum3A_16, %reduce_sum3A_17 [1] : vector<1x1024xf32> to vector<1xf32>
    %reduce_sum3A_19 = vector.shape_cast %reduce_sum3A_18 : vector<1xf32> to vector<1x1xf32>
    %reduce_sum3A_20 = vector.extract %reduce_sum3A_19[0, 0] : f32 from vector<1x1xf32>
    %eq3A = arith.constant 0 : i32
    %eq3A_21 = arith.cmpi eq, %add3A, %eq3A : i32
    %convert_element_type3A = arith.extui %eq3A_21 : i1 to i32
    %cond3A = arith.constant 0 : i32
    %cond3A_22 = arith.cmpi ne, %convert_element_type3A, %cond3A : i32
    scf.if %cond3A_22 {
      %swap3A_34 = arith.constant 0.000000e+00 : f32
      %swap3A_35 = arith.constant 0 : index
      %swap3A_36 = arith.constant 0 : index
      %swap3A_37 = memref.load %arg4[%swap3A_35, %swap3A_36] : memref<1x1xf32, #tpu.memory_space<smem>>
      memref.store %swap3A_34, %arg4[%swap3A_35, %swap3A_36] : memref<1x1xf32, #tpu.memory_space<smem>>
    } else {
    }
    %get3A_23 = arith.constant 0 : index
    %get3A_24 = arith.constant 0 : index
    %get3A_25 = memref.load %arg4[%get3A_23, %get3A_24] : memref<1x1xf32, #tpu.memory_space<smem>>
    %add3A_26 = arith.addf %get3A_25, %reduce_sum3A_20 : f32
    %swap3A = arith.constant 0 : index
    %swap3A_27 = arith.constant 0 : index
    %swap3A_28 = memref.load %arg4[%swap3A, %swap3A_27] : memref<1x1xf32, #tpu.memory_space<smem>>
    memref.store %add3A_26, %arg4[%swap3A, %swap3A_27] : memref<1x1xf32, #tpu.memory_space<smem>>
    %eq3A_29 = arith.constant 3 : i32
    %eq3A_30 = arith.cmpi eq, %add3A, %eq3A_29 : i32
    %convert_element_type3A_31 = arith.extui %eq3A_30 : i1 to i32
    %cond3A_32 = arith.constant 0 : i32
    %cond3A_33 = arith.cmpi ne, %convert_element_type3A_31, %cond3A_32 : i32
    scf.if %cond3A_33 {
      %get3A_34 = arith.constant 0 : index
      %get3A_35 = arith.constant 0 : index
      %get3A_36 = memref.load %arg4[%get3A_34, %get3A_35] : memref<1x1xf32, #tpu.memory_space<smem>>
      %mul3A_37 = arith.constant -6.10351563E-5 : f32
      %mul3A_38 = arith.mulf %get3A_36, %mul3A_37 : f32
      %swap3A_39 = arith.constant 0 : index
      %swap3A_40 = arith.constant 0 : index
      %swap3A_41 = memref.load %arg4[%swap3A_39, %swap3A_40] : memref<1x1xf32, #tpu.memory_space<smem>>
      memref.store %mul3A_38, %arg4[%swap3A_39, %swap3A_40] : memref<1x1xf32, #tpu.memory_space<smem>>
    } else {
    }
    return
  }
  func.func @transform_0(%arg0: i32, %arg1: i32) -> (i32, i32, i32) {
    %c0_i32 = arith.constant 0 : i32
    %c0_i32_0 = arith.constant 0 : i32
    return %arg0, %arg1, %c0_i32 : i32, i32, i32
  }
  func.func @transform_1(%arg0: i32, %arg1: i32) -> (i32, i32, i32) {
    %c0_i32 = arith.constant 0 : i32
    %c0_i32_0 = arith.constant 0 : i32
    return %arg0, %c0_i32, %arg1 : i32, i32, i32
  }
  func.func @transform_2(%arg0: i32, %arg1: i32) -> (i32, i32) {
    %c0_i32 = arith.constant 0 : i32
    %c0_i32_0 = arith.constant 0 : i32
    %c0_i32_1 = arith.constant 0 : i32
    return %c0_i32, %c0_i32_0 : i32, i32
  }
}

</mosaic_0001>

<sc_bundles>
// kernel: kernel.4.cloned.1.call-start
scs
__scs_entry_jumppad:
0x0: {  	(pc) =	sbr.rel $0x88, $3  }
0x1: {  	(tag) =	ssettag $0x0;
	lr =	simm.s32 $0x1  }
0x2: {  	[smem:$0x3F9F] =	sst lr;
	_ =	strace $0xD0000000  }
0x3: {  	_ = 	snop  }
0x4: {  	_ = 	snop  }
0x5: {  	_ = 	snop  }
0x6: {  	_ = 	snop  }
0x7: {  	_ = 	snop  }
__scs_overlays_trampoline_lowered:
0x8: {  	[smem:$0x3FAE] =	sst s0  }
0x9: {  	[smem:$0x3FAF] =	sst s1  }
0xa: {  	[smem:$0x3FB0] =	sst s2  }
0xb: {  	[smem:$0x3FB1] =	sst s3  }
0xc: {  	[smem:$0x3FB2] =	sst s4  }
0xd: {  	[smem:$0x3FB3] =	sst s5  }
0xe: {  	[smem:$0x3FB4] =	sst s6  }
0xf: {  	[smem:$0x3FB5] =	sst s7  }
0x10: {  	[smem:$0x3FB6] =	sst s8  }
0x11: {  	[smem:$0x3FB7] =	sst s9;
	s0 =	simm.s32 @!p0 $0x0  }
0x12: {  	s1 =	sld [smem:$0x3F9D];
	s0 =	simm.s32 @p0 $0x1  }
0x13: {  	[smem:$0x3FB8] =	sst s0;
	s0 =	simm.s32 @!p1 $0x0  }
0x14: {  	s2 =	sld [smem:$0x3F9C];
	s0 =	simm.s32 @p1 $0x1  }
0x15: {  	[smem:$0x3FB9] =	sst s0;
	s0 =	simm.s32 @!p2 $0x0  }
0x16: {  	s3 =	sld [smem:$0x3FDB];
	s0 =	simm.s32 @p2 $0x1  }
0x17: {  	s4 =	simm.s32 $0x1BF5;
	[smem:$0x3FBB] =	sst s0  }
0x18: {  	s0 =	sld [smem:$0x3F9E];
	_ =	swait.ge [sflag:s4], $0x0  }
0x19: {  	s7 =	sld [smem:$0x3F9F]  }
0x1a: {  	s8 =	sadd.s32 $0xFFFFE003, lr  }
0x1b: {  	s9 =	sadd.s32 $0xFFFFFEF7, lr;
	s5 =	simm.s32 $0xFFFFFFFF;
	p2 =	slt.u32 s8, $0xFFFFF086  }
0x1c: {  	p1 =	slt.u32 s9, $0xF7A;
	s5 =	simm.s32 @!p2 $0x0  }
0x1d: {  	s5 =	simm.s32 @p1 $0x1;
	p0 =	seq.s32 s7, s2  }
0x1e: {  	s7 =	smul.u32 @!p0 $0xF7A, s2;
	p2 =	seq.s32 @!p0 s5, $0x0  }
0x1f: {  	s9 =	smul.u32 $0xF7A, s1;
	s8 =	simm.s32 @!p0 $0x1BF5;
	p2 =	por !p2, p0  }
0x20: {  	[sflag:s8] =	ssyncset.s32 @!p0 $0xFFFFF086;
	s6 =	sadd.s32 @!p0 s3, s7;
	s7 =	simm.s32 @!p0 $0x108  }
0x21: {  	s3 =	sadd.s32 s3, s9;
	s6 =	sadd.s32 @!p0 $0x88, s6;
	s7 =	simm.s32 @p2 $0x1082  }
0x22: {  	[simem:s7], [sflag:s8] =	dma.local @!p0 [hbm:s6], $0xF7A  }
0x23: {  	s9 =	sor.u32 $0xD0000000, s2;
	s6 =	simm.s32 $0x108;
	_ =	swait.ge @!p0 [sflag:s8], $0x0  }
0x24: {  	s3 =	sadd.s32 $0x88, s3;
	s6 =	simm.s32 @!p1 $0x1082;
	[sflag:s4] =	ssyncset.s32 $0xFFFFF086  }
0x25: {  	[simem:s6], [sflag:s4] =	dma.local [hbm:s3], $0xF7A  }
0x26: {  	[smem:$0x3F9F] =	sst s1;
	(tag) =	ssettag s2;
	_ =	strace s9  }
0x27: {  	s1 =	sld [smem:$0x3FAF]  }
0x28: {  	s2 =	sld [smem:$0x3FB0]  }
0x29: {  	s4 =	sld [smem:$0x3FB2]  }
0x2a: {  	p0 =	seq.s32 s5, $0x0;
	s5 =	sld [smem:$0x3FB3]  }
0x2b: {  	s6 =	sld [smem:$0x3FB4]  }
0x2c: {  	s7 =	sld [smem:$0x3FB5]  }
0x2d: {  	s3 =	simm.s32 $0x108;
	s8 =	sld [smem:$0x3FB6]  }
0x2e: {  	s3 =	simm.s32 @!p0 $0x1082;
	s9 =	sld [smem:$0x3FB7]  }
0x2f: {  	lr =	sadd.s32 s0, s3;
	s0 =	sld [smem:$0x3FAE]  }
0x30: {  	s3 =	sld [smem:$0x3FB1]  }
0x31: {  	[smem:$0x3FBA] =	sst s10  }
0x32: {  	s10 =	sld [smem:$0x3FB8];
	_ =	sdelay $0x3  }
0x33: {  	p0 =	seq.s32 s10, $0x1;
	s10 =	sld [smem:$0x3FBA];
	_ =	sdelay $0x3  }
0x34: {  	[smem:$0x3FBA] =	sst s10  }
0x35: {  	s10 =	sld [smem:$0x3FB9];
	_ =	sdelay $0x3  }
0x36: {  	p1 =	seq.s32 s10, $0x1;
	s10 =	sld [smem:$0x3FBA];
	_ =	sdelay $0x3  }
0x37: {  	[smem:$0x3FBA] =	sst s10  }
0x38: {  	s10 =	sld [smem:$0x3FBB]  }
0x39: {  	_ = 	snop;
	(pc) =	sbr.ind lr, $3  }
0x3a: {  	_ = 	snop  }
0x3b: {  	_ = 	snop  }
0x3c: {  	p2 =	seq.s32 s10, $0x1;
	s10 =	sld [smem:$0x3FBA]  }
0x3d: {  	_ =	shalt  }
0x3e: {  	_ =	shalt  }
0x3f: {  	_ =	shalt  }
0x40: {  	_ =	shalt  }
0x41: {  	_ =	shalt  }
0x42: {  	_ =	shalt  }
0x43: {  	_ =	shalt  }
0x44: {  	_ =	shalt  }
0x45: {  	_ =	shalt  }
0x46: {  	_ =	shalt  }
0x47: {  	_ =	shalt  }
0x48: {  	_ =	shalt  }
0x49: {  	_ =	shalt  }
0x4a: {  	_ =	shalt  }
0x4b: {  	_ =	shalt  }
0x4c: {  	_ =	shalt  }
0x4d: {  	_ =	shalt  }
0x4e: {  	_ =	shalt  }
0x4f: {  	_ =	shalt  }
0x50: {  	_ =	shalt  }
0x51: {  	_ =	shalt  }
0x52: {  	_ =	shalt  }
0x53: {  	_ =	shalt  }
0x54: {  	_ =	shalt  }
0x55: {  	_ =	shalt  }
0x56: {  	_ =	shalt  }
0x57: {  	_ =	shalt  }
0x58: {  	_ =	shalt  }
0x59: {  	_ =	shalt  }
0x5a: {  	_ =	shalt  }
0x5b: {  	_ =	shalt  }
0x5c: {  	_ =	shalt  }
0x5d: {  	_ =	shalt  }
0x5e: {  	_ =	shalt  }
0x5f: {  	_ =	shalt  }
0x60: {  	_ =	shalt  }
0x61: {  	_ =	shalt  }
0x62: {  	_ =	shalt  }
0x63: {  	_ =	shalt  }
0x64: {  	_ =	shalt  }
0x65: {  	_ =	shalt  }
0x66: {  	_ =	shalt  }
0x67: {  	_ =	shalt  }
0x68: {  	_ =	shalt  }
0x69: {  	_ =	shalt  }
0x6a: {  	_ =	shalt  }
0x6b: {  	_ =	shalt  }
0x6c: {  	_ =	shalt  }
0x6d: {  	_ =	shalt  }
0x6e: {  	_ =	shalt  }
0x6f: {  	_ =	shalt  }
0x70: {  	_ =	shalt  }
0x71: {  	_ =	shalt  }
0x72: {  	_ =	shalt  }
0x73: {  	_ =	shalt  }
0x74: {  	_ =	shalt  }
0x75: {  	_ =	shalt  }
0x76: {  	_ =	shalt  }
0x77: {  	_ =	shalt  }
0x78: {  	_ =	shalt  }
0x79: {  	_ =	shalt  }
0x7a: {  	_ =	shalt  }
0x7b: {  	_ =	shalt  }
0x7c: {  	_ =	shalt  }
0x7d: {  	_ =	shalt  }
0x7e: {  	_ =	shalt  }
0x7f: {  	_ =	shalt  }
0x80: {  	_ =	shalt  }
0x81: {  	_ =	shalt  }
0x82: {  	_ =	shalt  }
0x83: {  	_ =	shalt  }
0x84: {  	_ =	shalt  }
0x85: {  	_ =	shalt  }
0x86: {  	_ =	shalt  }
0x87: {  	_ =	shalt  }
.Lfunc_end0:
.L_simem_size_0:
called_computation_lowered:
.L_overlay_start_0:
0x88: {  	s0 =	sld [smem:$0x3FD9]  }
0x89: {  	s1 =	sld [smem:$0x3FFE];
	_ =	sdelay $0x3  }
0x8a: {  	s0 =	sadd.s32 s1, s0  }
0x8b: {  	[smem:$0x3FC6] =	sst s0  }
0x8c: {  	_ = 	snop  }
0x8d: {  	(tm) =	ssettm $0x1  }
0x8e: {  	s15 =	sld [smem:$0x3FFB];
	_ =	sdelay $0x3  }
0x8f: {  	_ =	strace s15  }
0x90: {  	s0 =	sld [smem:$0x3FFC];
	_ =	sdelay $0x3  }
0x91: {  	_ =	strace s0  }
0x92: {  	s0 =	sld [smem:$0x3FFD];
	_ =	sdelay $0x3  }
0x93: {  	_ =	strace s0  }
0x94: {  	_ =	strace $0x8FFFFFFF  }
0x95: {  	s16 =	sld [smem:$0x3FDB];
	_ =	sdelay $0x1  }
0x96: {  	s17 =	simm.s32 $_scs_section_size  }
0x97: {  	s2 =	simm.s32 $_size__tile_overlayer_lowered;
	s3 =	simm.s32 $_tile_overlayer_lowered  }
0x98: {  	s20 =	simm.s32 $0x1BFF;
	s19 =	sshll.u32 s3, $0x1;
	s0 =	sadd.s32 s17, s16  }
0x99: {  	s4 =	simm.s32 $0x0;
	s18 =	sshll.u32 s2, $0x1;
	s2 =	sadd.s32 s19, s0  }
0x9a: {  	[timem:s4], [sflag:s20] =	dma.local [hbm:s2], s18  }
0x9b: {  	_ =	swait.ge [sflag:s20], s18  }
0x9c: {  	s1 =	ssub.s32 $0x0, s18;
	[sflag:s20] =	ssyncset.done $0x0  }
0x9d: {  	[sflag:s20] =	ssyncadd.s32 s1;
	_ =	sdelay $0x1  }
0x9e: {  	s21 =	simm.s32 $0x1B8B  }
0x9f: {  	_ =	swait.ge [sflag:s21], $0x1  }
0xa0: {  	[sflag:s21] =	ssyncset.done $0x0  }
0xa1: {  	s23 =	simm.s32 $0x1B8E;
	s22 =	sld [smem:$0x3FFE];
	[sflag:s21] =	ssyncadd.s32 $0xFFFFFFFF  }
0xa2: {  	s24 =	simm.s32 $execute0_lowered;
	[smem:$0x3FD2] =	sst s23  }
0xa3: {  	s2 =	sshll.u32 s24, $0x1;
	_ =	strace $0x80000046;
	[dreg:$0x1] =	wrdreg $0xFFFFFFFF  }
0xa4: {  	s25 =	simm.s32 $_size_execute0_lowered;
	s0 =	sadd.s32 s0, s2;
	[dreg:$0x0] =	wrdreg $0x0  }
0xa5: {  	s2 =	sshll.u32 s25, $0x1;
	[dreg:$0x2] =	wrdreg s0  }
0xa6: {  	[dreg:$0x3] =	wrdreg s2  }
0xa7: {  	[dreg:$0x4] =	wrdreg $0xC0  }
0xa8: {  	_ =	task [dreg:s4], $0x5FFFF  }
0xa9: {  	[dreg:$0x1] =	wrdreg $0xFFFFFFFF  }
0xaa: {  	[dreg:$0x0] =	wrdreg $0x60  }
0xab: {  	[dreg:$0x2] =	wrdreg s22  }
0xac: {  	[dreg:$0x3] =	wrdreg $0x9  }
0xad: {  	_ =	task.clear_ibuf [dreg:s4], $0x4FFFF;
	_ =	strace $0x90000046  }
0xae: {  	s26 =	simm.s32 $0x9;
	_ =	strace $0x80000048  }
0xaf: {  	_ =	swait.ge [sflag:s26], $0x1  }
0xb0: {  	[sflag:s26] =	ssyncadd.s32 $0xFFFFFFFF  }
0xb1: {  	_ =	strace $0x90000048  }
0xb2: {  	_ =	sfence  }
0xb3: {  	s28 =	sld [smem:$0x0];
	_ =	sdelay $0x1  }
0xb4: {  	s29 =	srdreg.scid  }
0xb5: {  	s30 =	sshll.u32 s29, $0xD;
	s31 =	sshrl.u32 s29, $0x2  }
0xb6: {  	s1 =	sand.u32 $0x1, s29;
	s2 =	sand.u32 $0x4000, s30;
	s0 =	sadd.s32 s31, s28  }
0xb7: {  	s1 =	sor.u32 s2, s1;
	s0 =	sshll.u32 s0, $0x11  }
0xb8: {  	s0 =	sor.u32 s0, s1  }
0xb9: {  	s0 =	sadd.s32 $0x8F2B, s0  }
0xba: {  	[sflag:s0] =	ssyncadd.remote.s32 $0x1  }
0xbb: {  	_ =	sfence.sel $0xFFFF  }
0xbc: {  	[dreg:$0x0] =	wrdreg $0xFFFFFFFF;
	(pc) =	sbr.abs _section_cstart, $3  }
0xbd: {  	[dreg:$0x1] =	wrdreg $0xFFFFFFFF  }
0xbe: {  	_ =	task.clear_ibuf [dreg:s4], $0x2FFFF;
	_ =	strace $0x9FFFFFFF  }
0xbf: {  	(tm) =	ssettm $0x7FFFFFFF  }
tec
execute0_lowered:
.L_overlay_start_1:
0x0: {  	(tag) =	ssettag $0x1  }
0x1: {  	s1 =	stileid.u32  }
0x2: {  	p0 =	sgt.u32 s1, $0x3  }
.Ltmp0:
0x3: {  	_ = 	snop;
	(pc) =	sbr.rel @p0 .LBB2_16-.Ltmp0, $4  }
0x4: {  	_ = 	snop  }
0x5: {  	s2 =	rddreg [dreg:$0x0];
	s3 =	simm.s32 $0x0  }
0x6: {  	[smem:$0x7FF] =	sst s3  }
0x7: {  	s0 =	rddreg [dreg:$0x1];
	_ =	strace $0x80000047  }
0x8: {  	s4 =	sadd.s32 $0x400, s2;
	s5 =	sshll.u32 s1, $0x9  }
0x9: {  	s29 =	simm.s32 $0x1;
	s4 =	sadd.s32 s4, s5  }
0xa: {  	[tilespmem:s3], [sflag:$0x1] =	stream.linear.gather [hbm4b:s4+s3], $0x1000, $0x38;
	[tilespmem:$0x1400] =	vst v63  }
0xb: {  	_ =	swait.ge [sflag:s29], $0x1000  }
0xc: {  	[sflag:s29] =	ssyncset.done $0x0  }
0xd: {  	v0 =	vimm.f32 $0.0e+00;
	[sflag:s29] =	ssyncadd.s32 $0xFFFFF000  }
0xe: {  	[tilespmem:$0x1000] =	vst v0  }
0xf: {  	[tilespmem:$0x1010] =	vst v0  }
0x10: {  	[tilespmem:$0x1020] =	vst v0  }
0x11: {  	[tilespmem:$0x1030] =	vst v0  }
0x12: {  	[tilespmem:$0x1040] =	vst v0  }
0x13: {  	[tilespmem:$0x1050] =	vst v0  }
0x14: {  	[tilespmem:$0x1060] =	vst v0  }
0x15: {  	[tilespmem:$0x1070] =	vst v0  }
0x16: {  	[tilespmem:$0x1080] =	vst v0  }
0x17: {  	[tilespmem:$0x1090] =	vst v0  }
0x18: {  	[tilespmem:$0x10A0] =	vst v0  }
0x19: {  	[tilespmem:$0x10B0] =	vst v0  }
0x1a: {  	[tilespmem:$0x10C0] =	vst v0  }
0x1b: {  	[tilespmem:$0x10D0] =	vst v0  }
0x1c: {  	[tilespmem:$0x10E0] =	vst v0  }
0x1d: {  	[tilespmem:$0x10F0] =	vst v0  }
0x1e: {  	[tilespmem:$0x1100] =	vst v0  }
0x1f: {  	[tilespmem:$0x1110] =	vst v0  }
0x20: {  	[tilespmem:$0x1120] =	vst v0  }
0x21: {  	[tilespmem:$0x1130] =	vst v0  }
0x22: {  	[tilespmem:$0x1140] =	vst v0  }
0x23: {  	[tilespmem:$0x1150] =	vst v0  }
0x24: {  	[tilespmem:$0x1160] =	vst v0  }
0x25: {  	[tilespmem:$0x1170] =	vst v0  }
0x26: {  	[tilespmem:$0x1180] =	vst v0  }
0x27: {  	[tilespmem:$0x1190] =	vst v0  }
0x28: {  	[tilespmem:$0x11A0] =	vst v0  }
0x29: {  	[tilespmem:$0x11B0] =	vst v0  }
0x2a: {  	[tilespmem:$0x11C0] =	vst v0  }
0x2b: {  	[tilespmem:$0x11D0] =	vst v0  }
0x2c: {  	[tilespmem:$0x11E0] =	vst v0  }
0x2d: {  	[tilespmem:$0x11F0] =	vst v0  }
0x2e: {  	[tilespmem:$0x1200] =	vst v0  }
0x2f: {  	[tilespmem:$0x1210] =	vst v0  }
0x30: {  	[tilespmem:$0x1220] =	vst v0  }
0x31: {  	[tilespmem:$0x1230] =	vst v0  }
0x32: {  	[tilespmem:$0x1240] =	vst v0  }
0x33: {  	[tilespmem:$0x1250] =	vst v0  }
0x34: {  	[tilespmem:$0x1260] =	vst v0  }
0x35: {  	[tilespmem:$0x1270] =	vst v0  }
0x36: {  	[tilespmem:$0x1280] =	vst v0  }
0x37: {  	[tilespmem:$0x1290] =	vst v0  }
0x38: {  	[tilespmem:$0x12A0] =	vst v0  }
0x39: {  	[tilespmem:$0x12B0] =	vst v0  }
0x3a: {  	[tilespmem:$0x12C0] =	vst v0  }
0x3b: {  	[tilespmem:$0x12D0] =	vst v0  }
0x3c: {  	[tilespmem:$0x12E0] =	vst v0  }
0x3d: {  	[tilespmem:$0x12F0] =	vst v0  }
0x3e: {  	[tilespmem:$0x1300] =	vst v0  }
0x3f: {  	[tilespmem:$0x1310] =	vst v0  }
0x40: {  	[tilespmem:$0x1320] =	vst v0  }
0x41: {  	[tilespmem:$0x1330] =	vst v0  }
0x42: {  	[tilespmem:$0x1340] =	vst v0  }
0x43: {  	[tilespmem:$0x1350] =	vst v0  }
0x44: {  	[tilespmem:$0x1360] =	vst v0  }
0x45: {  	[tilespmem:$0x1370] =	vst v0  }
0x46: {  	[tilespmem:$0x1380] =	vst v0  }
0x47: {  	[tilespmem:$0x1390] =	vst v0  }
0x48: {  	[tilespmem:$0x13A0] =	vst v0  }
0x49: {  	[tilespmem:$0x13B0] =	vst v0  }
0x4a: {  	[tilespmem:$0x13C0] =	vst v0  }
0x4b: {  	s30 =	sshll.u32 s1, $0x4;
	[tilespmem:$0x13D0] =	vst v0  }
0x4c: {  	s31 =	sadd.s32 s30, s2;
	s5 =	simm.s32 $0x1000;
	[tilespmem:$0x13E0] =	vst v0  }
0x4d: {  	s2 =	sadd.s32 $0xC00, s31;
	s3 =	simm.s32 $0xFFFFFFF8;
	s4 =	simm.s32 $0x40;
	[tilespmem:$0x13F0] =	vst v0;
	v0 =	vimm.f32 $1.110899630e-02  }
.LBB2_2:
0x4e: {  	v1 =	vld [tilespmem:s4+$0xFFFFFFC0];
	_ =	sdelay $0x4  }
0x4f: {  	v1 =	vadd.s32 $0x3, v1  }
0x50: {  	vm0 =	vgt.s32 v1, $0x0  }
0x51: {  	v1 =	vnsel vm0, $0x0, v1  }
0x52: {  	v1 =	vmin.u32 v1, $0x3E7;
	_ =	sdelay $0x4  }
0x53: {  	[tilespmem:v1+s5+$0x0] =	vst.idx.msk $0xffff, v0  }
0x54: {  	v1 =	vld [tilespmem:s4+$0xFFFFFFD0];
	_ =	sdelay $0x4  }
0x55: {  	v1 =	vadd.s32 $0x3, v1  }
0x56: {  	vm9 =	vgt.s32 v1, $0x0  }
0x57: {  	v1 =	vnsel vm9, $0x0, v1  }
0x58: {  	v1 =	vmin.u32 v1, $0x3E7;
	_ =	sdelay $0x4  }
0x59: {  	[tilespmem:v1+s5+$0x0] =	vst.idx.msk $0xffff, v0  }
0x5a: {  	v1 =	vld [tilespmem:s4+$0xFFFFFFE0];
	_ =	sdelay $0x4  }
0x5b: {  	v1 =	vadd.s32 $0x3, v1  }
0x5c: {  	vm10 =	vgt.s32 v1, $0x0  }
0x5d: {  	v1 =	vnsel vm10, $0x0, v1  }
0x5e: {  	v1 =	vmin.u32 v1, $0x3E7;
	_ =	sdelay $0x4  }
0x5f: {  	[tilespmem:v1+s5+$0x0] =	vst.idx.msk $0xffff, v0  }
0x60: {  	v1 =	vld [tilespmem:s4+$0xFFFFFFF0];
	_ =	sdelay $0x4  }
0x61: {  	v1 =	vadd.s32 $0x3, v1  }
0x62: {  	vm11 =	vgt.s32 v1, $0x0  }
0x63: {  	v1 =	vnsel vm11, $0x0, v1  }
0x64: {  	v1 =	vmin.u32 v1, $0x3E7;
	_ =	sdelay $0x4  }
0x65: {  	[tilespmem:v1+s5+$0x0] =	vst.idx.msk $0xffff, v0  }
0x66: {  	v1 =	vld [tilespmem:s4+$0x0];
	_ =	sdelay $0x4  }
0x67: {  	v1 =	vadd.s32 $0x3, v1  }
0x68: {  	vm12 =	vgt.s32 v1, $0x0  }
0x69: {  	v1 =	vnsel vm12, $0x0, v1  }
0x6a: {  	v1 =	vmin.u32 v1, $0x3E7;
	_ =	sdelay $0x4  }
0x6b: {  	[tilespmem:v1+s5+$0x0] =	vst.idx.msk $0xffff, v0  }
0x6c: {  	v1 =	vld [tilespmem:s4+$0x10];
	_ =	sdelay $0x4  }
0x6d: {  	v1 =	vadd.s32 $0x3, v1  }
0x6e: {  	vm13 =	vgt.s32 v1, $0x0  }
0x6f: {  	v1 =	vnsel vm13, $0x0, v1  }
0x70: {  	v1 =	vmin.u32 v1, $0x3E7;
	_ =	sdelay $0x4  }
0x71: {  	[tilespmem:v1+s5+$0x0] =	vst.idx.msk $0xffff, v0  }
0x72: {  	v1 =	vld [tilespmem:s4+$0x20];
	_ =	sdelay $0x4  }
0x73: {  	v1 =	vadd.s32 $0x3, v1  }
0x74: {  	vm14 =	vgt.s32 v1, $0x0  }
0x75: {  	v1 =	vnsel vm14, $0x0, v1  }
0x76: {  	v1 =	vmin.u32 v1, $0x3E7;
	_ =	sdelay $0x4  }
0x77: {  	[tilespmem:v1+s5+$0x0] =	vst.idx.msk $0xffff, v0  }
0x78: {  	v1 =	vld [tilespmem:s4+$0x30];
	_ =	sdelay $0x4  }
0x79: {  	v1 =	vadd.s32 $0x3, v1  }
0x7a: {  	vm15 =	vgt.s32 v1, $0x0  }
0x7b: {  	s3 =	sadd.s32 $0x8, s3;
	v1 =	vnsel vm15, $0x0, v1  }
0x7c: {  	p0 =	slt.u32 s3, $0xF8;
	v1 =	vmin.u32 v1, $0x3E7  }
.Ltmp1:
0x7d: {  	_ = 	snop;
	(pc) =	sbr.rel @p0 .LBB2_2-.Ltmp1, $2  }
0x7e: {  	_ =	sdelay $0x2  }
0x7f: {  	s4 =	sadd.s32 $0x80, s4;
	[tilespmem:v1+s5+$0x0] =	vst.idx.msk $0xffff, v0  }
0x80: {  	s3 =	simm.s32 $0xFFFFFFF8;
	s4 =	simm.s32 $0x40;
	v0 =	vimm.f32 $1.110899630e-02;
	s5 =	simm.s32 $0x1000  }
.LBB2_4:
0x81: {  	v1 =	vld [tilespmem:s4+$0xFFFFFFC0];
	_ =	sdelay $0x4  }
0x82: {  	v1 =	vadd.s32 $0xFFFFFFFD, v1  }
0x83: {  	vm0 =	vgt.s32 v1, $0x0  }
0x84: {  	v1 =	vnsel vm0, $0x0, v1  }
0x85: {  	v1 =	vmin.u32 v1, $0x3E7;
	_ =	sdelay $0x4  }
0x86: {  	[tilespmem:v1+s5+$0x0] =	vst.idx.msk $0xffff, v0  }
0x87: {  	v1 =	vld [tilespmem:s4+$0xFFFFFFD0];
	_ =	sdelay $0x4  }
0x88: {  	v1 =	vadd.s32 $0xFFFFFFFD, v1  }
0x89: {  	vm9 =	vgt.s32 v1, $0x0  }
0x8a: {  	v1 =	vnsel vm9, $0x0, v1  }
0x8b: {  	v1 =	vmin.u32 v1, $0x3E7;
	_ =	sdelay $0x4  }
0x8c: {  	[tilespmem:v1+s5+$0x0] =	vst.idx.msk $0xffff, v0  }
0x8d: {  	v1 =	vld [tilespmem:s4+$0xFFFFFFE0];
	_ =	sdelay $0x4  }
0x8e: {  	v1 =	vadd.s32 $0xFFFFFFFD, v1  }
0x8f: {  	vm10 =	vgt.s32 v1, $0x0  }
0x90: {  	v1 =	vnsel vm10, $0x0, v1  }
0x91: {  	v1 =	vmin.u32 v1, $0x3E7;
	_ =	sdelay $0x4  }
0x92: {  	[tilespmem:v1+s5+$0x0] =	vst.idx.msk $0xffff, v0  }
0x93: {  	v1 =	vld [tilespmem:s4+$0xFFFFFFF0];
	_ =	sdelay $0x4  }
0x94: {  	v1 =	vadd.s32 $0xFFFFFFFD, v1  }
0x95: {  	vm11 =	vgt.s32 v1, $0x0  }
0x96: {  	v1 =	vnsel vm11, $0x0, v1  }
0x97: {  	v1 =	vmin.u32 v1, $0x3E7;
	_ =	sdelay $0x4  }
0x98: {  	[tilespmem:v1+s5+$0x0] =	vst.idx.msk $0xffff, v0  }
0x99: {  	v1 =	vld [tilespmem:s4+$0x0];
	_ =	sdelay $0x4  }
0x9a: {  	v1 =	vadd.s32 $0xFFFFFFFD, v1  }
0x9b: {  	vm12 =	vgt.s32 v1, $0x0  }
0x9c: {  	v1 =	vnsel vm12, $0x0, v1  }
0x9d: {  	v1 =	vmin.u32 v1, $0x3E7;
	_ =	sdelay $0x4  }
0x9e: {  	[tilespmem:v1+s5+$0x0] =	vst.idx.msk $0xffff, v0  }
0x9f: {  	v1 =	vld [tilespmem:s4+$0x10];
	_ =	sdelay $0x4  }
0xa0: {  	v1 =	vadd.s32 $0xFFFFFFFD, v1  }
0xa1: {  	vm13 =	vgt.s32 v1, $0x0  }
0xa2: {  	v1 =	vnsel vm13, $0x0, v1  }
0xa3: {  	v1 =	vmin.u32 v1, $0x3E7;
	_ =	sdelay $0x4  }
0xa4: {  	[tilespmem:v1+s5+$0x0] =	vst.idx.msk $0xffff, v0  }
0xa5: {  	v1 =	vld [tilespmem:s4+$0x20];
	_ =	sdelay $0x4  }
0xa6: {  	v1 =	vadd.s32 $0xFFFFFFFD, v1  }
0xa7: {  	vm14 =	vgt.s32 v1, $0x0  }
0xa8: {  	v1 =	vnsel vm14, $0x0, v1  }
0xa9: {  	v1 =	vmin.u32 v1, $0x3E7;
	_ =	sdelay $0x4  }
0xaa: {  	[tilespmem:v1+s5+$0x0] =	vst.idx.msk $0xffff, v0  }
0xab: {  	v1 =	vld [tilespmem:s4+$0x30];
	_ =	sdelay $0x4  }
0xac: {  	v1 =	vadd.s32 $0xFFFFFFFD, v1  }
0xad: {  	vm15 =	vgt.s32 v1, $0x0  }
0xae: {  	s3 =	sadd.s32 $0x8, s3;
	v1 =	vnsel vm15, $0x0, v1  }
0xaf: {  	p0 =	slt.u32 s3, $0xF8;
	v1 =	vmin.u32 v1, $0x3E7  }
.Ltmp2:
0xb0: {  	_ = 	snop;
	(pc) =	sbr.rel @p0 .LBB2_4-.Ltmp2, $2  }
0xb1: {  	_ =	sdelay $0x2  }
0xb2: {  	s4 =	sadd.s32 $0x80, s4;
	[tilespmem:v1+s5+$0x0] =	vst.idx.msk $0xffff, v0  }
0xb3: {  	s3 =	simm.s32 $0xFFFFFFF8;
	s4 =	simm.s32 $0x40;
	v0 =	vimm.f32 $1.353352810e-01;
	s5 =	simm.s32 $0x1000  }
.LBB2_6:
0xb4: {  	v1 =	vld [tilespmem:s4+$0xFFFFFFC0];
	_ =	sdelay $0x4  }
0xb5: {  	v1 =	vadd.s32 $0x2, v1  }
0xb6: {  	vm0 =	vgt.s32 v1, $0x0  }
0xb7: {  	v1 =	vnsel vm0, $0x0, v1  }
0xb8: {  	v1 =	vmin.u32 v1, $0x3E7;
	_ =	sdelay $0x4  }
0xb9: {  	[tilespmem:v1+s5+$0x0] =	vst.idx.msk $0xffff, v0  }
0xba: {  	v1 =	vld [tilespmem:s4+$0xFFFFFFD0];
	_ =	sdelay $0x4  }
0xbb: {  	v1 =	vadd.s32 $0x2, v1  }
0xbc: {  	vm9 =	vgt.s32 v1, $0x0  }
0xbd: {  	v1 =	vnsel vm9, $0x0, v1  }
0xbe: {  	v1 =	vmin.u32 v1, $0x3E7;
	_ =	sdelay $0x4  }
0xbf: {  	[tilespmem:v1+s5+$0x0] =	vst.idx.msk $0xffff, v0  }
0xc0: {  	v1 =	vld [tilespmem:s4+$0xFFFFFFE0];
	_ =	sdelay $0x4  }
0xc1: {  	v1 =	vadd.s32 $0x2, v1  }
0xc2: {  	vm10 =	vgt.s32 v1, $0x0  }
0xc3: {  	v1 =	vnsel vm10, $0x0, v1  }
0xc4: {  	v1 =	vmin.u32 v1, $0x3E7;
	_ =	sdelay $0x4  }
0xc5: {  	[tilespmem:v1+s5+$0x0] =	vst.idx.msk $0xffff, v0  }
0xc6: {  	v1 =	vld [tilespmem:s4+$0xFFFFFFF0];
	_ =	sdelay $0x4  }
0xc7: {  	v1 =	vadd.s32 $0x2, v1  }
0xc8: {  	vm11 =	vgt.s32 v1, $0x0  }
0xc9: {  	v1 =	vnsel vm11, $0x0, v1  }
0xca: {  	v1 =	vmin.u32 v1, $0x3E7;
	_ =	sdelay $0x4  }
0xcb: {  	[tilespmem:v1+s5+$0x0] =	vst.idx.msk $0xffff, v0  }
0xcc: {  	v1 =	vld [tilespmem:s4+$0x0];
	_ =	sdelay $0x4  }
0xcd: {  	v1 =	vadd.s32 $0x2, v1  }
0xce: {  	vm12 =	vgt.s32 v1, $0x0  }
0xcf: {  	v1 =	vnsel vm12, $0x0, v1  }
0xd0: {  	v1 =	vmin.u32 v1, $0x3E7;
	_ =	sdelay $0x4  }
0xd1: {  	[tilespmem:v1+s5+$0x0] =	vst.idx.msk $0xffff, v0  }
0xd2: {  	v1 =	vld [tilespmem:s4+$0x10];
	_ =	sdelay $0x4  }
0xd3: {  	v1 =	vadd.s32 $0x2, v1  }
0xd4: {  	vm13 =	vgt.s32 v1, $0x0  }
0xd5: {  	v1 =	vnsel vm13, $0x0, v1  }
0xd6: {  	v1 =	vmin.u32 v1, $0x3E7;
	_ =	sdelay $0x4  }
0xd7: {  	[tilespmem:v1+s5+$0x0] =	vst.idx.msk $0xffff, v0  }
0xd8: {  	v1 =	vld [tilespmem:s4+$0x20];
	_ =	sdelay $0x4  }
0xd9: {  	v1 =	vadd.s32 $0x2, v1  }
0xda: {  	vm14 =	vgt.s32 v1, $0x0  }
0xdb: {  	v1 =	vnsel vm14, $0x0, v1  }
0xdc: {  	v1 =	vmin.u32 v1, $0x3E7;
	_ =	sdelay $0x4  }
0xdd: {  	[tilespmem:v1+s5+$0x0] =	vst.idx.msk $0xffff, v0  }
0xde: {  	v1 =	vld [tilespmem:s4+$0x30];
	_ =	sdelay $0x4  }
0xdf: {  	v1 =	vadd.s32 $0x2, v1  }
0xe0: {  	vm15 =	vgt.s32 v1, $0x0  }
0xe1: {  	s3 =	sadd.s32 $0x8, s3;
	v1 =	vnsel vm15, $0x0, v1  }
0xe2: {  	p0 =	slt.u32 s3, $0xF8;
	v1 =	vmin.u32 v1, $0x3E7  }
.Ltmp3:
0xe3: {  	_ = 	snop;
	(pc) =	sbr.rel @p0 .LBB2_6-.Ltmp3, $2  }
0xe4: {  	_ =	sdelay $0x2  }
0xe5: {  	s4 =	sadd.s32 $0x80, s4;
	[tilespmem:v1+s5+$0x0] =	vst.idx.msk $0xffff, v0  }
0xe6: {  	s3 =	simm.s32 $0xFFFFFFF8;
	s4 =	simm.s32 $0x40;
	v0 =	vimm.f32 $1.353352810e-01;
	s5 =	simm.s32 $0x1000  }
.LBB2_8:
0xe7: {  	v1 =	vld [tilespmem:s4+$0xFFFFFFC0];
	_ =	sdelay $0x4  }
0xe8: {  	v1 =	vadd.s32 $0xFFFFFFFE, v1  }
0xe9: {  	vm0 =	vgt.s32 v1, $0x0  }
0xea: {  	v1 =	vnsel vm0, $0x0, v1  }
0xeb: {  	v1 =	vmin.u32 v1, $0x3E7;
	_ =	sdelay $0x4  }
0xec: {  	[tilespmem:v1+s5+$0x0] =	vst.idx.msk $0xffff, v0  }
0xed: {  	v1 =	vld [tilespmem:s4+$0xFFFFFFD0];
	_ =	sdelay $0x4  }
0xee: {  	v1 =	vadd.s32 $0xFFFFFFFE, v1  }
0xef: {  	vm9 =	vgt.s32 v1, $0x0  }
0xf0: {  	v1 =	vnsel vm9, $0x0, v1  }
0xf1: {  	v1 =	vmin.u32 v1, $0x3E7;
	_ =	sdelay $0x4  }
0xf2: {  	[tilespmem:v1+s5+$0x0] =	vst.idx.msk $0xffff, v0  }
0xf3: {  	v1 =	vld [tilespmem:s4+$0xFFFFFFE0];
	_ =	sdelay $0x4  }
0xf4: {  	v1 =	vadd.s32 $0xFFFFFFFE, v1  }
0xf5: {  	vm10 =	vgt.s32 v1, $0x0  }
0xf6: {  	v1 =	vnsel vm10, $0x0, v1  }
0xf7: {  	v1 =	vmin.u32 v1, $0x3E7;
	_ =	sdelay $0x4  }
0xf8: {  	[tilespmem:v1+s5+$0x0] =	vst.idx.msk $0xffff, v0  }
0xf9: {  	v1 =	vld [tilespmem:s4+$0xFFFFFFF0];
	_ =	sdelay $0x4  }
0xfa: {  	v1 =	vadd.s32 $0xFFFFFFFE, v1  }
0xfb: {  	vm11 =	vgt.s32 v1, $0x0  }
0xfc: {  	v1 =	vnsel vm11, $0x0, v1  }
0xfd: {  	v1 =	vmin.u32 v1, $0x3E7;
	_ =	sdelay $0x4  }
0xfe: {  	[tilespmem:v1+s5+$0x0] =	vst.idx.msk $0xffff, v0  }
0xff: {  	v1 =	vld [tilespmem:s4+$0x0];
	_ =	sdelay $0x4  }
0x100: {  	v1 =	vadd.s32 $0xFFFFFFFE, v1  }
0x101: {  	vm12 =	vgt.s32 v1, $0x0  }
0x102: {  	v1 =	vnsel vm12, $0x0, v1  }
0x103: {  	v1 =	vmin.u32 v1, $0x3E7;
	_ =	sdelay $0x4  }
0x104: {  	[tilespmem:v1+s5+$0x0] =	vst.idx.msk $0xffff, v0  }
0x105: {  	v1 =	vld [tilespmem:s4+$0x10];
	_ =	sdelay $0x4  }
0x106: {  	v1 =	vadd.s32 $0xFFFFFFFE, v1  }
0x107: {  	vm13 =	vgt.s32 v1, $0x0  }
0x108: {  	v1 =	vnsel vm13, $0x0, v1  }
0x109: {  	v1 =	vmin.u32 v1, $0x3E7;
	_ =	sdelay $0x4  }
0x10a: {  	[tilespmem:v1+s5+$0x0] =	vst.idx.msk $0xffff, v0  }
0x10b: {  	v1 =	vld [tilespmem:s4+$0x20];
	_ =	sdelay $0x4  }
0x10c: {  	v1 =	vadd.s32 $0xFFFFFFFE, v1  }
0x10d: {  	vm14 =	vgt.s32 v1, $0x0  }
0x10e: {  	v1 =	vnsel vm14, $0x0, v1  }
0x10f: {  	v1 =	vmin.u32 v1, $0x3E7;
	_ =	sdelay $0x4  }
0x110: {  	[tilespmem:v1+s5+$0x0] =	vst.idx.msk $0xffff, v0  }
0x111: {  	v1 =	vld [tilespmem:s4+$0x30];
	_ =	sdelay $0x4  }
0x112: {  	v1 =	vadd.s32 $0xFFFFFFFE, v1  }
0x113: {  	vm15 =	vgt.s32 v1, $0x0  }
0x114: {  	s3 =	sadd.s32 $0x8, s3;
	v1 =	vnsel vm15, $0x0, v1  }
0x115: {  	p0 =	slt.u32 s3, $0xF8;
	v1 =	vmin.u32 v1, $0x3E7  }
.Ltmp4:
0x116: {  	_ = 	snop;
	(pc) =	sbr.rel @p0 .LBB2_8-.Ltmp4, $2  }
0x117: {  	_ =	sdelay $0x2  }
0x118: {  	s4 =	sadd.s32 $0x80, s4;
	[tilespmem:v1+s5+$0x0] =	vst.idx.msk $0xffff, v0  }
0x119: {  	s3 =	simm.s32 $0xFFFFFFF8;
	s4 =	simm.s32 $0x40;
	v0 =	vimm.f32 $6.065306660e-01;
	s5 =	simm.s32 $0x1000  }
.LBB2_10:
0x11a: {  	v1 =	vld [tilespmem:s4+$0xFFFFFFC0];
	_ =	sdelay $0x4  }
0x11b: {  	v1 =	vadd.s32 $0x1, v1  }
0x11c: {  	vm0 =	vgt.s32 v1, $0x0  }
0x11d: {  	v1 =	vnsel vm0, $0x0, v1  }
0x11e: {  	v1 =	vmin.u32 v1, $0x3E7;
	_ =	sdelay $0x4  }
0x11f: {  	[tilespmem:v1+s5+$0x0] =	vst.idx.msk $0xffff, v0  }
0x120: {  	v1 =	vld [tilespmem:s4+$0xFFFFFFD0];
	_ =	sdelay $0x4  }
0x121: {  	v1 =	vadd.s32 $0x1, v1  }
0x122: {  	vm9 =	vgt.s32 v1, $0x0  }
0x123: {  	v1 =	vnsel vm9, $0x0, v1  }
0x124: {  	v1 =	vmin.u32 v1, $0x3E7;
	_ =	sdelay $0x4  }
0x125: {  	[tilespmem:v1+s5+$0x0] =	vst.idx.msk $0xffff, v0  }
0x126: {  	v1 =	vld [tilespmem:s4+$0xFFFFFFE0];
	_ =	sdelay $0x4  }
0x127: {  	v1 =	vadd.s32 $0x1, v1  }
0x128: {  	vm10 =	vgt.s32 v1, $0x0  }
0x129: {  	v1 =	vnsel vm10, $0x0, v1  }
0x12a: {  	v1 =	vmin.u32 v1, $0x3E7;
	_ =	sdelay $0x4  }
0x12b: {  	[tilespmem:v1+s5+$0x0] =	vst.idx.msk $0xffff, v0  }
0x12c: {  	v1 =	vld [tilespmem:s4+$0xFFFFFFF0];
	_ =	sdelay $0x4  }
0x12d: {  	v1 =	vadd.s32 $0x1, v1  }
0x12e: {  	vm11 =	vgt.s32 v1, $0x0  }
0x12f: {  	v1 =	vnsel vm11, $0x0, v1  }
0x130: {  	v1 =	vmin.u32 v1, $0x3E7;
	_ =	sdelay $0x4  }
0x131: {  	[tilespmem:v1+s5+$0x0] =	vst.idx.msk $0xffff, v0  }
0x132: {  	v1 =	vld [tilespmem:s4+$0x0];
	_ =	sdelay $0x4  }
0x133: {  	v1 =	vadd.s32 $0x1, v1  }
0x134: {  	vm12 =	vgt.s32 v1, $0x0  }
0x135: {  	v1 =	vnsel vm12, $0x0, v1  }
0x136: {  	v1 =	vmin.u32 v1, $0x3E7;
	_ =	sdelay $0x4  }
0x137: {  	[tilespmem:v1+s5+$0x0] =	vst.idx.msk $0xffff, v0  }
0x138: {  	v1 =	vld [tilespmem:s4+$0x10];
	_ =	sdelay $0x4  }
0x139: {  	v1 =	vadd.s32 $0x1, v1  }
0x13a: {  	vm13 =	vgt.s32 v1, $0x0  }
0x13b: {  	v1 =	vnsel vm13, $0x0, v1  }
0x13c: {  	v1 =	vmin.u32 v1, $0x3E7;
	_ =	sdelay $0x4  }
0x13d: {  	[tilespmem:v1+s5+$0x0] =	vst.idx.msk $0xffff, v0  }
0x13e: {  	v1 =	vld [tilespmem:s4+$0x20];
	_ =	sdelay $0x4  }
0x13f: {  	v1 =	vadd.s32 $0x1, v1  }
0x140: {  	vm14 =	vgt.s32 v1, $0x0  }
0x141: {  	v1 =	vnsel vm14, $0x0, v1  }
0x142: {  	v1 =	vmin.u32 v1, $0x3E7;
	_ =	sdelay $0x4  }
0x143: {  	[tilespmem:v1+s5+$0x0] =	vst.idx.msk $0xffff, v0  }
0x144: {  	v1 =	vld [tilespmem:s4+$0x30];
	_ =	sdelay $0x4  }
0x145: {  	v1 =	vadd.s32 $0x1, v1  }
0x146: {  	vm15 =	vgt.s32 v1, $0x0  }
0x147: {  	s3 =	sadd.s32 $0x8, s3;
	v1 =	vnsel vm15, $0x0, v1  }
0x148: {  	p0 =	slt.u32 s3, $0xF8;
	v1 =	vmin.u32 v1, $0x3E7  }
.Ltmp5:
0x149: {  	_ = 	snop;
	(pc) =	sbr.rel @p0 .LBB2_10-.Ltmp5, $2  }
0x14a: {  	_ =	sdelay $0x2  }
0x14b: {  	s4 =	sadd.s32 $0x80, s4;
	[tilespmem:v1+s5+$0x0] =	vst.idx.msk $0xffff, v0  }
0x14c: {  	s3 =	simm.s32 $0xFFFFFFF8;
	s4 =	simm.s32 $0x40;
	v0 =	vimm.f32 $6.065306660e-01;
	s5 =	simm.s32 $0x1000  }
.LBB2_12:
0x14d: {  	v1 =	vld [tilespmem:s4+$0xFFFFFFC0];
	_ =	sdelay $0x4  }
0x14e: {  	v1 =	vadd.s32 $0xFFFFFFFF, v1  }
0x14f: {  	vm0 =	vgt.s32 v1, $0x0  }
0x150: {  	v1 =	vnsel vm0, $0x0, v1  }
0x151: {  	v1 =	vmin.u32 v1, $0x3E7;
	_ =	sdelay $0x4  }
0x152: {  	[tilespmem:v1+s5+$0x0] =	vst.idx.msk $0xffff, v0  }
0x153: {  	v1 =	vld [tilespmem:s4+$0xFFFFFFD0];
	_ =	sdelay $0x4  }
0x154: {  	v1 =	vadd.s32 $0xFFFFFFFF, v1  }
0x155: {  	vm9 =	vgt.s32 v1, $0x0  }
0x156: {  	v1 =	vnsel vm9, $0x0, v1  }
0x157: {  	v1 =	vmin.u32 v1, $0x3E7;
	_ =	sdelay $0x4  }
0x158: {  	[tilespmem:v1+s5+$0x0] =	vst.idx.msk $0xffff, v0  }
0x159: {  	v1 =	vld [tilespmem:s4+$0xFFFFFFE0];
	_ =	sdelay $0x4  }
0x15a: {  	v1 =	vadd.s32 $0xFFFFFFFF, v1  }
0x15b: {  	vm10 =	vgt.s32 v1, $0x0  }
0x15c: {  	v1 =	vnsel vm10, $0x0, v1  }
0x15d: {  	v1 =	vmin.u32 v1, $0x3E7;
	_ =	sdelay $0x4  }
0x15e: {  	[tilespmem:v1+s5+$0x0] =	vst.idx.msk $0xffff, v0  }
0x15f: {  	v1 =	vld [tilespmem:s4+$0xFFFFFFF0];
	_ =	sdelay $0x4  }
0x160: {  	v1 =	vadd.s32 $0xFFFFFFFF, v1  }
0x161: {  	vm11 =	vgt.s32 v1, $0x0  }
0x162: {  	v1 =	vnsel vm11, $0x0, v1  }
0x163: {  	v1 =	vmin.u32 v1, $0x3E7;
	_ =	sdelay $0x4  }
0x164: {  	[tilespmem:v1+s5+$0x0] =	vst.idx.msk $0xffff, v0  }
0x165: {  	v1 =	vld [tilespmem:s4+$0x0];
	_ =	sdelay $0x4  }
0x166: {  	v1 =	vadd.s32 $0xFFFFFFFF, v1  }
0x167: {  	vm12 =	vgt.s32 v1, $0x0  }
0x168: {  	v1 =	vnsel vm12, $0x0, v1  }
0x169: {  	v1 =	vmin.u32 v1, $0x3E7;
	_ =	sdelay $0x4  }
0x16a: {  	[tilespmem:v1+s5+$0x0] =	vst.idx.msk $0xffff, v0  }
0x16b: {  	v1 =	vld [tilespmem:s4+$0x10];
	_ =	sdelay $0x4  }
0x16c: {  	v1 =	vadd.s32 $0xFFFFFFFF, v1  }
0x16d: {  	vm13 =	vgt.s32 v1, $0x0  }
0x16e: {  	v1 =	vnsel vm13, $0x0, v1  }
0x16f: {  	v1 =	vmin.u32 v1, $0x3E7;
	_ =	sdelay $0x4  }
0x170: {  	[tilespmem:v1+s5+$0x0] =	vst.idx.msk $0xffff, v0  }
0x171: {  	v1 =	vld [tilespmem:s4+$0x20];
	_ =	sdelay $0x4  }
0x172: {  	v1 =	vadd.s32 $0xFFFFFFFF, v1  }
0x173: {  	vm14 =	vgt.s32 v1, $0x0  }
0x174: {  	v1 =	vnsel vm14, $0x0, v1  }
0x175: {  	v1 =	vmin.u32 v1, $0x3E7;
	_ =	sdelay $0x4  }
0x176: {  	[tilespmem:v1+s5+$0x0] =	vst.idx.msk $0xffff, v0  }
0x177: {  	v1 =	vld [tilespmem:s4+$0x30];
	_ =	sdelay $0x4  }
0x178: {  	v1 =	vadd.s32 $0xFFFFFFFF, v1  }
0x179: {  	vm15 =	vgt.s32 v1, $0x0  }
0x17a: {  	s3 =	sadd.s32 $0x8, s3;
	v1 =	vnsel vm15, $0x0, v1  }
0x17b: {  	p0 =	slt.u32 s3, $0xF8;
	v1 =	vmin.u32 v1, $0x3E7  }
.Ltmp6:
0x17c: {  	_ = 	snop;
	(pc) =	sbr.rel @p0 .LBB2_12-.Ltmp6, $2  }
0x17d: {  	_ =	sdelay $0x2  }
0x17e: {  	s4 =	sadd.s32 $0x80, s4;
	[tilespmem:v1+s5+$0x0] =	vst.idx.msk $0xffff, v0  }
0x17f: {  	s3 =	simm.s32 $0xFFFFFFF8;
	s4 =	simm.s32 $0x40;
	v0 =	vimm.f32 $1.000000000e+00;
	s5 =	simm.s32 $0x1000  }
.LBB2_14:
0x180: {  	v1 =	vld [tilespmem:s4+$0xFFFFFFC0];
	_ =	sdelay $0x4  }
0x181: {  	vm0 =	vgt.s32 v1, $0x0  }
0x182: {  	v1 =	vnsel vm0, $0x0, v1  }
0x183: {  	v1 =	vmin.u32 v1, $0x3E7;
	_ =	sdelay $0x4  }
0x184: {  	[tilespmem:v1+s5+$0x0] =	vst.idx.msk $0xffff, v0  }
0x185: {  	v1 =	vld [tilespmem:s4+$0xFFFFFFD0];
	_ =	sdelay $0x4  }
0x186: {  	vm9 =	vgt.s32 v1, $0x0  }
0x187: {  	v1 =	vnsel vm9, $0x0, v1  }
0x188: {  	v1 =	vmin.u32 v1, $0x3E7;
	_ =	sdelay $0x4  }
0x189: {  	[tilespmem:v1+s5+$0x0] =	vst.idx.msk $0xffff, v0  }
0x18a: {  	v1 =	vld [tilespmem:s4+$0xFFFFFFE0];
	_ =	sdelay $0x4  }
0x18b: {  	vm10 =	vgt.s32 v1, $0x0  }
0x18c: {  	v1 =	vnsel vm10, $0x0, v1  }
0x18d: {  	v1 =	vmin.u32 v1, $0x3E7;
	_ =	sdelay $0x4  }
0x18e: {  	[tilespmem:v1+s5+$0x0] =	vst.idx.msk $0xffff, v0  }
0x18f: {  	v1 =	vld [tilespmem:s4+$0xFFFFFFF0];
	_ =	sdelay $0x4  }
0x190: {  	vm11 =	vgt.s32 v1, $0x0  }
0x191: {  	v1 =	vnsel vm11, $0x0, v1  }
0x192: {  	v1 =	vmin.u32 v1, $0x3E7;
	_ =	sdelay $0x4  }
0x193: {  	[tilespmem:v1+s5+$0x0] =	vst.idx.msk $0xffff, v0  }
0x194: {  	v1 =	vld [tilespmem:s4+$0x0];
	_ =	sdelay $0x4  }
0x195: {  	vm12 =	vgt.s32 v1, $0x0  }
0x196: {  	v1 =	vnsel vm12, $0x0, v1  }
0x197: {  	v1 =	vmin.u32 v1, $0x3E7;
	_ =	sdelay $0x4  }
0x198: {  	[tilespmem:v1+s5+$0x0] =	vst.idx.msk $0xffff, v0  }
0x199: {  	v1 =	vld [tilespmem:s4+$0x10];
	_ =	sdelay $0x4  }
0x19a: {  	vm13 =	vgt.s32 v1, $0x0  }
0x19b: {  	v1 =	vnsel vm13, $0x0, v1  }
0x19c: {  	v1 =	vmin.u32 v1, $0x3E7;
	_ =	sdelay $0x4  }
0x19d: {  	[tilespmem:v1+s5+$0x0] =	vst.idx.msk $0xffff, v0  }
0x19e: {  	v1 =	vld [tilespmem:s4+$0x20];
	_ =	sdelay $0x4  }
0x19f: {  	vm14 =	vgt.s32 v1, $0x0  }
0x1a0: {  	v1 =	vnsel vm14, $0x0, v1  }
0x1a1: {  	v1 =	vmin.u32 v1, $0x3E7;
	_ =	sdelay $0x4  }
0x1a2: {  	[tilespmem:v1+s5+$0x0] =	vst.idx.msk $0xffff, v0  }
0x1a3: {  	v1 =	vld [tilespmem:s4+$0x30];
	_ =	sdelay $0x4  }
0x1a4: {  	vm15 =	vgt.s32 v1, $0x0  }
0x1a5: {  	s3 =	sadd.s32 $0x8, s3;
	v1 =	vnsel vm15, $0x0, v1  }
0x1a6: {  	p0 =	slt.u32 s3, $0xF8;
	v1 =	vmin.u32 v1, $0x3E7  }
.Ltmp7:
0x1a7: {  	_ = 	snop;
	(pc) =	sbr.rel @p0 .LBB2_14-.Ltmp7, $2  }
0x1a8: {  	_ =	sdelay $0x2  }
0x1a9: {  	s4 =	sadd.s32 $0x80, s4;
	[tilespmem:v1+s5+$0x0] =	vst.idx.msk $0xffff, v0  }
0x1aa: {  	s3 =	simm.s32 $0x80  }
0x1ab: {  	s4 =	simm.s32 $0x200;
	s5 =	simm.s32 $0x1000;
	s31 =	simm.s32 $0x1  }
0x1ac: {  	[hbm4b:s2+s3] =	stream.strided.scatter [tilespmem:s5], [sflag:$0x1], $0x400, s4, s3, $0x38;
	[tilespmem:$0x1400] =	vst v63  }
0x1ad: {  	_ =	swait.ge [sflag:s31], $0x400  }
0x1ae: {  	[sflag:s31] =	ssyncset.done $0x0  }
0x1af: {  	[sflag:s31] =	ssyncadd.s32 $0xFFFFFC00  }
.LBB2_16:
0x1b0: {  	_ =	sfence.sel $0x180000  }
0x1b1: {  	[bflag:$0x0] =	sbarrier.arrive $0xFFFF  }
0x1b2: {  	p0 =	sne.s32 s1, $0x0;
	_ =	strace $0x90000047  }
0x1b3: {  	s0 =	sadd.s32 @!p0 $0x100000, s0;
	[bflag:$0x2] =	sbarrier.arrive $0xFFFF  }
0x1b4: {  	[sflag:s0] =	ssyncadd.tile.s32 @!p0 $0x1;
	_ =	shalt  }
.Lfunc_end2:
_tile_overlayer_lowered:
.L_overlay_start_2:
0x1b5: {  	(tag) =	ssettag $0x2  }
0x1b6: {  	s0 =	rddreg [dreg:$0x0];
	s2 =	stileid.u32  }
0x1b7: {  	s1 =	rddreg [dreg:$0x1];
	p0 =	sne.s32 s2, $0x0  }
0x1b8: {  	s3 =	rddreg [dreg:$0x2];
	[bflag:$0x3] =	sbarrier.arrive $0xFFFF;
	s2 =	simm.s32 @!p0 $0x1C01  }
0x1b9: {  	[timem:s3], [sflag:s2] =	dma.local @!p0 [hbm:s0], s1  }
0x1ba: {  	s0 =	simm.s32 @!p0 $0x1  }
0x1bb: {  	_ =	swait.ge @!p0 [sflag:s0], s1  }
0x1bc: {  	s1 =	ssub.s32 @!p0 $0x0, s1;
	[sflag:s0] =	ssyncset.done @!p0 $0x0  }
0x1bd: {  	[sflag:s0] =	ssyncadd.s32 @!p0 s1  }
0x1be: {  	[bflag:$0x3] =	sbarrier.arrive $0xFFFF  }
0x1bf: {  	_ =	shalt  }

</sc_bundles>
